<compile_context>
chip_gen: v7x
topology: tpu7x:2x2x1
jax: 0.10.2.dev20260603
libtpu: 0.0.44.dev20260713+nightly
codegen_flags: <defaults>
</compile_context>

<pallas_src>
import numpy as np
import jax
import jax.numpy as jnp
from jax import lax
from jax.experimental import pallas as pl
from jax.experimental.pallas import tpu as pltpu
from jax.experimental.pallas import tpu_sc as plsc

_SHAPE = (160, 160, 160)
_rng = np.random.default_rng(0)
_K = []
for _s in _SHAPE:
    _kk = _rng.normal(32.0, 16.0)
    _K.append(int(np.clip(np.floor(_kk), 4, _s)))
_K = tuple(_K)
_N = tuple((s + (k - s % k)) // k for s, k in zip(_SHAPE, _K))
_NB = _N[0] * _N[1] * _N[2]
_PERM = _rng.permutation(_NB)

_B = 2
_NW = 32
_K0, _K1, _K2 = _K
_N0, _N1, _N2 = _N
_C0 = tuple(ix * _K2 for ix in range(_N2))


def _unflatten(i):
    return i // (_N1 * _N2), (i // _N2) % _N1, i % _N2


def _build_params():
    tasks = []
    for b in range(_B):
        for iz in range(_N0):
            eo0 = min(_K0, _SHAPE[0] - iz * _K0)
            for iy in range(_N1):
                eo1 = min(_K1, _SHAPE[1] - iy * _K1)
                for oz in range(eo0):
                    p = [0] * 32
                    p[0] = b * _SHAPE[0] + iz * _K0 + oz
                    p[1] = iy * _K1
                    p[2] = eo1
                    for ix in range(_N2):
                        i = iz * (_N1 * _N2) + iy * _N2 + ix
                        jz, jy, jx = _unflatten(int(_PERM[i]))
                        es0 = min(_K0, _SHAPE[0] - jz * _K0)
                        es1 = min(_K1, _SHAPE[1] - jy * _K1)
                        es2 = min(_K2, _SHAPE[2] - jx * _K2)
                        eo2 = min(_K2, _SHAPE[2] - ix * _K2)
                        m1 = min(es1, eo1)
                        m2 = min(es2, eo2)
                        sx = jx * _K2
                        zv = oz < es0
                        sy = jy * _K1
                        syc = min(sy, _SHAPE[1] - 29)
                        base = 4 + ix * 6
                        p[base + 0] = (b * _SHAPE[0] + jz * _K0 + oz) if zv else 0
                        p[base + 1] = syc if zv else 0
                        p[base + 2] = (sy - syc) if zv else 0
                        p[base + 3] = sx
                        p[base + 4] = m1 if zv else 0
                        flags = (1 if m2 == _K2 else 0)
                        flags |= (2 if (m2 < _K2 and eo2 == _K2) else 0)
                        p[base + 5] = flags
                    tasks.append(p)
    assert len(tasks) == _NW * 60
    rows = np.zeros((_NW, 61, 32), dtype=np.int32)
    for t, p in enumerate(tasks):
        rows[t % _NW, t // _NW] = p
    return rows


_PARAMS = _build_params()

_CHUNK_SRC = {
    0: [0], 1: [0], 2: [0, 1], 3: [1], 4: [1],
    5: [1, 2], 6: [2], 7: [2, 3], 8: [3], 9: [3],
}
_SPLIT = {2: 10, 5: 4, 7: 14}
_ZT_LANE = {(2, 0): 2, (4, 1): 12, (5, 1): 0, (7, 2): 6}


def _body(x_hbm, prm_hbm, out_hbm, prm_v, pnl_v, out_v, sem_r, sem_w):
    wid = lax.axis_index("s") * 2 + lax.axis_index("c")
    pltpu.sync_copy(prm_hbm.at[wid], prm_v)
    lanesi = lax.iota(jnp.int32, 16)
    zero_i = lanesi * 0
    ixvecs = [zero_i + ix for ix in range(_N2)]
    lanesf = lanesi.astype(jnp.float32)
    onev = jnp.clip(lanesf + 1.0, 0.0, 1.0)
    mcv = {q: jnp.clip(float(s) - lanesf, 0.0, 1.0)
           for q, s in _SPLIT.items()}
    ztcv = {k: jnp.clip(lanesf - float(zl - 1), 0.0, 1.0)
            for k, zl in _ZT_LANE.items()}

    def load_scalars(s):
        rowA = prm_v[s, pl.ds(0, 16)]
        rowB = prm_v[s, pl.ds(16, 16)]
        vals = [rowA[0], rowA[1], rowA[2]]
        for ix in range(_N2):
            base = 4 + ix * 6
            src = rowA if base + 5 < 16 else rowB
            off = base if base + 5 < 16 else base - 16
            vals += [src[off + 0], src[off + 1], src[off + 2],
                     src[off + 3], src[off + 4], src[off + 5]]
        return tuple(vals)

    def sc_view(vals):
        sc = {"dzg": vals[0], "dy": vals[1], "eo1": vals[2],
              "szg": [], "sy": [], "dsy": [], "av": [], "m1eff": [],
              "flags": []}
        for ix in range(_N2):
            b = 3 + ix * 6
            sc["szg"].append(vals[b + 0])
            sc["sy"].append(vals[b + 1])
            sc["dsy"].append(vals[b + 2])
            sc["av"].append(vals[b + 3])
            sc["m1eff"].append(vals[b + 4])
            sc["flags"].append(vals[b + 5])
        return sc

    def reads(sc, slot, start):
        for ix in range(_N2):
            cp = pltpu.make_async_copy(
                x_hbm.at[sc["szg"][ix], pl.ds(sc["sy"][ix], 29), :],
                pnl_v.at[pl.ds((slot * 4 + ix) * 29, 29), :],
                sem_r.at[slot])
            if start:
                cp.start()
            else:
                cp.wait()

    def write_start(sc, slot):
        for E1 in (29, 15):
            @pl.when(sc["eo1"] == E1)
            def _(E1=E1):
                pltpu.make_async_copy(
                    out_v.at[slot, pl.ds(0, E1), :],
                    out_hbm.at[sc["dzg"], pl.ds(sc["dy"], E1), :],
                    sem_w.at[slot]).start()

    def write_wait(w, slot):
        dzg, dy, eo1 = w
        for E1 in (29, 15):
            @pl.when(eo1 == E1)
            def _(E1=E1):
                pltpu.make_async_copy(
                    out_v.at[slot, pl.ds(0, E1), :],
                    out_hbm.at[dzg, pl.ds(dy, E1), :],
                    sem_w.at[slot]).wait()

    def assemble(sc, slot):
        ztmul = {}
        for (q, ix), c in ztcv.items():
            zt_f = jnp.where((sc["flags"][ix] & 2) != 0, 1.0, 0.0)
            ztmul[(q, ix)] = onev - zt_f * c
        rbvec = [zero_i + ((slot * 4 + ix) * 29 + sc["dsy"][ix])
                 for ix in range(_N2)]
        ofvec = {}
        for q in range(10):
            for ix in _CHUNK_SRC[q]:
                ofvec[(q, ix)] = lanesi + (sc["av"][ix] + (16 * q - _C0[ix]))
        m1v = [(zero_i + sc["m1eff"][ix]).astype(jnp.float32)
               for ix in range(_N2)]

        @plsc.parallel_loop(0, sc["eo1"], unroll=2)
        def row_body(r):
            rvec = zero_i + r
            rvecf = rvec.astype(jnp.float32)
            valid_f = [jnp.clip(m1v[ix] - rvecf, 0.0, 1.0)
                       for ix in range(_N2)]
            rowv = [rbvec[ix] + rvec for ix in range(_N2)]
            for q in range(10):
                pieces = []
                for ix in _CHUNK_SRC[q]:
                    v = plsc.load_gather(pnl_v, [rowv[ix], ofvec[(q, ix)]])
                    v = v * valid_f[ix]
                    if (q, ix) in ztmul:
                        v = v * ztmul[(q, ix)]
                    pieces.append(v)
                if len(pieces) == 2:
                    chunk = pieces[1] + (pieces[0] - pieces[1]) * mcv[q]
                else:
                    chunk = pieces[0]
                out_v[slot, r, pl.ds(16 * q, 16)] = chunk

    sc0_t = load_scalars(0)
    reads(sc_view(sc0_t), 0, True)
    dummy_w = (sc0_t[0] * 0, sc0_t[0] * 0, sc0_t[0] * 0 + 29)

    def slice_body(s, carry):
        sc_t, w1, w2 = carry
        slot = lax.rem(s, 2)
        sc = sc_view(sc_t)
        scn_t = load_scalars(s + 1)

        @pl.when(s < 59)
        def _():
            reads(sc_view(scn_t), 1 - slot, True)

        reads(sc, slot, False)

        @pl.when(s >= 2)
        def _():
            write_wait(w2, slot)

        assemble(sc, slot)
        write_start(sc, slot)
        return (scn_t, (sc["dzg"], sc["dy"], sc["eo1"]), w1)

    fin = lax.fori_loop(0, 60, slice_body, (sc0_t, dummy_w, dummy_w))
    write_wait(fin[2], 0)
    write_wait(fin[1], 1)


_run = pl.kernel(
    _body,
    out_type=jax.ShapeDtypeStruct((_B * _SHAPE[0], _SHAPE[1], _SHAPE[2]),
                                  jnp.float32),
    mesh=plsc.VectorSubcoreMesh(core_axis_name="c", subcore_axis_name="s"),
    compiler_params=pltpu.CompilerParams(use_tc_tiling_on_sc=False,
                                         needs_layout_passes=False),
    scratch_types=[
        pltpu.VMEM((61, 32), jnp.int32),
        pltpu.VMEM((232, 160), jnp.float32),
        pltpu.VMEM((2, 29, 160), jnp.float32),
        pltpu.SemaphoreType.DMA((2,)),
        pltpu.SemaphoreType.DMA((2,)),
    ],
)


def kernel(x):
    xf = x.reshape(_B * _SHAPE[0], _SHAPE[1], _SHAPE[2])
    prm = jnp.asarray(_PARAMS)
    out = _run(xf, prm)
    return out.reshape(_B, 1, *_SHAPE)

# --- scband reference (transcript-rebuilt; emitter-appended) ---
"""Pipeline reference for scband-hyper-random-rubiks-76003741270473 (READ-ONLY COPY).

The authoritative reference and input builder live on the scoring server;
editing this copy changes nothing except your own understanding.
"""

import jax, jax.numpy as jnp
import numpy as np


def setup_inputs(seed: int = 0) -> dict:
    key = jax.random.key(seed)
    x = jax.random.normal(key, (2, 1, 160, 160, 160), dtype=jnp.float32)
    return {"x": x}


def reference(x):
    # HyperRandomRubiks forward: sample per-dim block kernel from Normal(kernel_exp=32,
    # kernel_scale=16), clamp to [4, dim_size], pad volume up to a multiple of the kernel,
    # unfold into blocks (collapsed), randomly permute the blocks, fold back, crop.
    # Randomness is made deterministic with a fixed numpy RNG (shape-affecting values
    # must be concrete Python ints).
    B, C = x.shape[0], x.shape[1]
    shape = x.shape[2:]
    dim = len(shape)
    assert dim == 3
    rng = np.random.default_rng(0)
    kernel_exp, kernel_scale = 32.0, 16.0
    kernel = []
    for i in range(dim):
        k = rng.normal(kernel_exp, kernel_scale)
        k = int(np.clip(np.floor(k), 4, shape[i]))
        kernel.append(k)
    # pshape = s + (k - s % k)  (faithful: adds a full block even when divisible)
    pshape = [s + (k - s % k) for s, k in zip(shape, kernel)]
    pad_widths = [(0, 0), (0, 0)] + [(0, ps - s) for s, ps in zip(shape, pshape)]
    xp = jnp.pad(x, pad_widths)
    n = [ps // k for ps, k in zip(pshape, kernel)]
    # unfold with collapse=True -> [B, C, n1*n2*n3, k1, k2, k3]
    xr = xp.reshape(B, C, n[0], kernel[0], n[1], kernel[1], n[2], kernel[2])
    xr = jnp.transpose(xr, (0, 1, 2, 4, 6, 3, 5, 7))
    nb = n[0] * n[1] * n[2]
    xr = xr.reshape(B, C, nb, kernel[0], kernel[1], kernel[2])
    # random permutation of blocks (torch.randperm analogue, fixed seed)
    perm = jnp.asarray(rng.permutation(nb))
    xr = jnp.take(xr, perm, axis=2)
    # fold back (collapsed=True) to padded shape
    xr = xr.reshape(B, C, n[0], n[1], n[2], kernel[0], kernel[1], kernel[2])
    xr = jnp.transpose(xr, (0, 1, 2, 5, 3, 6, 4, 7))
    xp2 = xr.reshape(B, C, pshape[0], pshape[1], pshape[2])
    # ensure_shape back to original spatial shape (crop)
    out = xp2[:, :, :shape[0], :shape[1], :shape[2]]
    return out

if __name__ == "__main__":
    import jax
    _d = setup_inputs()
    print(jax.jit(kernel)(*tuple(_d.values())))

</pallas_src>

<mosaic_0001>
#map = affine_map<(d0, d1) -> (0, 0, 0)>
module attributes {stable_mosaic.version = 14 : i64} {
  func.func @_body(%arg0: i32, %arg1: i32, %arg2: memref<320x160x160xf32, #tpu.memory_space<hbm>>, %arg3: memref<32x61x32xi32, #tpu.memory_space<hbm>>, %arg4: memref<320x160x160xf32, #tpu.memory_space<hbm>>, %arg5: memref<61x32xi32, #tpu.memory_space<vmem>>, %arg6: memref<232x160xf32, #tpu.memory_space<vmem>>, %arg7: memref<2x29x160xf32, #tpu.memory_space<vmem>>, %arg8: memref<2x!tpu.dma_semaphore, #tpu.memory_space<semaphore_mem>>, %arg9: memref<2x!tpu.dma_semaphore, #tpu.memory_space<semaphore_mem>>) attributes {dimension_semantics = [#tpu.dimension_semantics<core_parallel>, #tpu.dimension_semantics<subcore_parallel>], iteration_bounds = array<i64: 2, 16>, scalar_prefetch = 0 : i64, scratch_operands = 5 : i64, tpu.core_type = #tpu.core_type<sc_vector_subcore>, window_params = [{transform_indices = #map}, {transform_indices = #map}, {transform_indices = #map}]} {
    %mul3A = arith.constant 2 : i32
    %mul3A_0 = arith.muli %arg1, %mul3A : i32
    %add3A = arith.addi %mul3A_0, %arg0 : i32
    "tpu.region"() ({
      %run_scoped3A = tpu.sem_alloc : memref<!tpu.dma_semaphore, #tpu.memory_space<semaphore_mem>>
      %dma_start3A_233 = arith.constant 0 : i32
      %dma_start3A_234 = arith.constant 0 : i32
      %dma_start3A_235 = tpu.memref_slice %arg3[%add3A, %dma_start3A_233, %dma_start3A_234] : memref<32x61x32xi32, #tpu.memory_space<hbm>> -> memref<1x61x32xi32, #tpu.memory_space<hbm>>
      %dma_start3A_236 = tpu.memref_squeeze %dma_start3A_235 : memref<1x61x32xi32, #tpu.memory_space<hbm>> -> memref<61x32xi32, #tpu.memory_space<hbm>>
      %dma_start3A_237 = arith.constant 0 : i32
      %dma_start3A_238 = arith.constant 0 : i32
      %dma_start3A_239 = tpu.memref_slice %arg3[%add3A, %dma_start3A_237, %dma_start3A_238] : memref<32x61x32xi32, #tpu.memory_space<hbm>> -> memref<1x61x32xi32, #tpu.memory_space<hbm>>
      %dma_start3A_240 = tpu.memref_squeeze %dma_start3A_239 : memref<1x61x32xi32, #tpu.memory_space<hbm>> -> memref<61x32xi32, #tpu.memory_space<hbm>>
      tpu.enqueue_dma source(%dma_start3A_240 : memref<61x32xi32, #tpu.memory_space<hbm>>) target(%arg5 : memref<61x32xi32, #tpu.memory_space<vmem>>) target_semaphore(%run_scoped3A : memref<!tpu.dma_semaphore, #tpu.memory_space<semaphore_mem>>)
      %dma_wait3A = arith.constant 0 : i32
      %dma_wait3A_241 = arith.constant 0 : i32
      %dma_wait3A_242 = tpu.memref_slice %arg3[%add3A, %dma_wait3A, %dma_wait3A_241] : memref<32x61x32xi32, #tpu.memory_space<hbm>> -> memref<1x61x32xi32, #tpu.memory_space<hbm>>
      %dma_wait3A_243 = tpu.memref_squeeze %dma_wait3A_242 : memref<1x61x32xi32, #tpu.memory_space<hbm>> -> memref<61x32xi32, #tpu.memory_space<hbm>>
      %dma_wait3A_244 = arith.constant 0 : i32
      %dma_wait3A_245 = arith.constant 0 : i32
      %dma_wait3A_246 = tpu.memref_slice %arg3[%add3A, %dma_wait3A_244, %dma_wait3A_245] : memref<32x61x32xi32, #tpu.memory_space<hbm>> -> memref<1x61x32xi32, #tpu.memory_space<hbm>>
      %dma_wait3A_247 = tpu.memref_squeeze %dma_wait3A_246 : memref<1x61x32xi32, #tpu.memory_space<hbm>> -> memref<61x32xi32, #tpu.memory_space<hbm>>
      tpu.wait_dma2 semaphore(%run_scoped3A : memref<!tpu.dma_semaphore, #tpu.memory_space<semaphore_mem>>) src(%dma_wait3A_247 : memref<61x32xi32, #tpu.memory_space<hbm>>) dst(%arg5 : memref<61x32xi32, #tpu.memory_space<vmem>>)
      tpu.yield
    }) : () -> ()
    %iota3A = tpu.iota {dimensions = array<i32: 0>} : vector<16xi32>
    %mul3A_1 = arith.constant 0 : i32
    %mul3A_2 = vector.broadcast %mul3A_1 : i32 to vector<16xi32>
    %mul3A_3 = arith.muli %iota3A, %mul3A_2 : vector<16xi32>
    %add3A_4 = arith.constant 0 : i32
    %add3A_5 = vector.broadcast %add3A_4 : i32 to vector<16xi32>
    %add3A_6 = arith.addi %mul3A_3, %add3A_5 : vector<16xi32>
    %add3A_7 = arith.constant 1 : i32
    %add3A_8 = vector.broadcast %add3A_7 : i32 to vector<16xi32>
    %add3A_9 = arith.addi %mul3A_3, %add3A_8 : vector<16xi32>
    %add3A_10 = arith.constant 2 : i32
    %add3A_11 = vector.broadcast %add3A_10 : i32 to vector<16xi32>
    %add3A_12 = arith.addi %mul3A_3, %add3A_11 : vector<16xi32>
    %add3A_13 = arith.constant 3 : i32
    %add3A_14 = vector.broadcast %add3A_13 : i32 to vector<16xi32>
    %add3A_15 = arith.addi %mul3A_3, %add3A_14 : vector<16xi32>
    %convert_element_type3A = arith.sitofp %iota3A : vector<16xi32> to vector<16xf32>
    %add3A_16 = arith.constant 1.000000e+00 : f32
    %add3A_17 = vector.broadcast %add3A_16 : f32 to vector<16xf32>
    %add3A_18 = arith.addf %convert_element_type3A, %add3A_17 : vector<16xf32>
    %jit3A = arith.constant 0.000000e+00 : f32
    %jit3A_19 = arith.constant 1.000000e+00 : f32
    %max3A = vector.broadcast %jit3A : f32 to vector<16xf32>
    %max3A_20 = arith.maximumf %max3A, %add3A_18 : vector<16xf32>
    %min3A = vector.broadcast %jit3A_19 : f32 to vector<16xf32>
    %min3A_21 = arith.minimumf %min3A, %max3A_20 : vector<16xf32>
    %sub3A = arith.constant 1.000000e+01 : f32
    %sub3A_22 = vector.broadcast %sub3A : f32 to vector<16xf32>
    %sub3A_23 = arith.subf %sub3A_22, %convert_element_type3A : vector<16xf32>
    %jit3A_24 = arith.constant 0.000000e+00 : f32
    %jit3A_25 = arith.constant 1.000000e+00 : f32
    %max3A_26 = vector.broadcast %jit3A_24 : f32 to vector<16xf32>
    %max3A_27 = arith.maximumf %max3A_26, %sub3A_23 : vector<16xf32>
    %min3A_28 = vector.broadcast %jit3A_25 : f32 to vector<16xf32>
    %min3A_29 = arith.minimumf %min3A_28, %max3A_27 : vector<16xf32>
    %sub3A_30 = arith.constant 4.000000e+00 : f32
    %sub3A_31 = vector.broadcast %sub3A_30 : f32 to vector<16xf32>
    %sub3A_32 = arith.subf %sub3A_31, %convert_element_type3A : vector<16xf32>
    %jit3A_33 = arith.constant 0.000000e+00 : f32
    %jit3A_34 = arith.constant 1.000000e+00 : f32
    %max3A_35 = vector.broadcast %jit3A_33 : f32 to vector<16xf32>
    %max3A_36 = arith.maximumf %max3A_35, %sub3A_32 : vector<16xf32>
    %min3A_37 = vector.broadcast %jit3A_34 : f32 to vector<16xf32>
    %min3A_38 = arith.minimumf %min3A_37, %max3A_36 : vector<16xf32>
    %sub3A_39 = arith.constant 1.400000e+01 : f32
    %sub3A_40 = vector.broadcast %sub3A_39 : f32 to vector<16xf32>
    %sub3A_41 = arith.subf %sub3A_40, %convert_element_type3A : vector<16xf32>
    %jit3A_42 = arith.constant 0.000000e+00 : f32
    %jit3A_43 = arith.constant 1.000000e+00 : f32
    %max3A_44 = vector.broadcast %jit3A_42 : f32 to vector<16xf32>
    %max3A_45 = arith.maximumf %max3A_44, %sub3A_41 : vector<16xf32>
    %min3A_46 = vector.broadcast %jit3A_43 : f32 to vector<16xf32>
    %min3A_47 = arith.minimumf %min3A_46, %max3A_45 : vector<16xf32>
    %sub3A_48 = arith.constant 1.000000e+00 : f32
    %sub3A_49 = vector.broadcast %sub3A_48 : f32 to vector<16xf32>
    %sub3A_50 = arith.subf %convert_element_type3A, %sub3A_49 : vector<16xf32>
    %jit3A_51 = arith.constant 0.000000e+00 : f32
    %jit3A_52 = arith.constant 1.000000e+00 : f32
    %max3A_53 = vector.broadcast %jit3A_51 : f32 to vector<16xf32>
    %max3A_54 = arith.maximumf %max3A_53, %sub3A_50 : vector<16xf32>
    %min3A_55 = vector.broadcast %jit3A_52 : f32 to vector<16xf32>
    %min3A_56 = arith.minimumf %min3A_55, %max3A_54 : vector<16xf32>
    %sub3A_57 = arith.constant 1.100000e+01 : f32
    %sub3A_58 = vector.broadcast %sub3A_57 : f32 to vector<16xf32>
    %sub3A_59 = arith.subf %convert_element_type3A, %sub3A_58 : vector<16xf32>
    %jit3A_60 = arith.constant 0.000000e+00 : f32
    %jit3A_61 = arith.constant 1.000000e+00 : f32
    %max3A_62 = vector.broadcast %jit3A_60 : f32 to vector<16xf32>
    %max3A_63 = arith.maximumf %max3A_62, %sub3A_59 : vector<16xf32>
    %min3A_64 = vector.broadcast %jit3A_61 : f32 to vector<16xf32>
    %min3A_65 = arith.minimumf %min3A_64, %max3A_63 : vector<16xf32>
    %sub3A_66 = arith.constant -1.000000e+00 : f32
    %sub3A_67 = vector.broadcast %sub3A_66 : f32 to vector<16xf32>
    %sub3A_68 = arith.subf %convert_element_type3A, %sub3A_67 : vector<16xf32>
    %jit3A_69 = arith.constant 0.000000e+00 : f32
    %jit3A_70 = arith.constant 1.000000e+00 : f32
    %max3A_71 = vector.broadcast %jit3A_69 : f32 to vector<16xf32>
    %max3A_72 = arith.maximumf %max3A_71, %sub3A_68 : vector<16xf32>
    %min3A_73 = vector.broadcast %jit3A_70 : f32 to vector<16xf32>
    %min3A_74 = arith.minimumf %min3A_73, %max3A_72 : vector<16xf32>
    %sub3A_75 = arith.constant 5.000000e+00 : f32
    %sub3A_76 = vector.broadcast %sub3A_75 : f32 to vector<16xf32>
    %sub3A_77 = arith.subf %convert_element_type3A, %sub3A_76 : vector<16xf32>
    %jit3A_78 = arith.constant 0.000000e+00 : f32
    %jit3A_79 = arith.constant 1.000000e+00 : f32
    %max3A_80 = vector.broadcast %jit3A_78 : f32 to vector<16xf32>
    %max3A_81 = arith.maximumf %max3A_80, %sub3A_77 : vector<16xf32>
    %min3A_82 = vector.broadcast %jit3A_79 : f32 to vector<16xf32>
    %min3A_83 = arith.minimumf %min3A_82, %max3A_81 : vector<16xf32>
    %get3A = arith.constant 0 : i32
    %get3A_84 = arith.index_cast %get3A : i32 to index
    %get3A_85 = arith.constant 0 : index
    %get3A_86 = tpu.vector_load %arg5[%get3A_84, %get3A_85] {strides = array<i32>} : memref<61x32xi32, #tpu.memory_space<vmem>>, vector<16xi32>,
    %get3A_87 = arith.constant 0 : i32
    %get3A_88 = arith.index_cast %get3A_87 : i32 to index
    %get3A_89 = arith.constant 16 : index
    %get3A_90 = tpu.vector_load %arg5[%get3A_88, %get3A_89] {strides = array<i32>} : memref<61x32xi32, #tpu.memory_space<vmem>>, vector<16xi32>,
    %slice3A = vector.extract_strided_slice %get3A_86 {offsets = [0], sizes = [1], strides = [1]} : vector<16xi32> to vector<1xi32>
    %squeeze3A = vector.extract %slice3A[0] : i32 from vector<1xi32>
    %slice3A_91 = vector.extract_strided_slice %get3A_86 {offsets = [1], sizes = [1], strides = [1]} : vector<16xi32> to vector<1xi32>
    %squeeze3A_92 = vector.extract %slice3A_91[0] : i32 from vector<1xi32>
    %slice3A_93 = vector.extract_strided_slice %get3A_86 {offsets = [2], sizes = [1], strides = [1]} : vector<16xi32> to vector<1xi32>
    %squeeze3A_94 = vector.extract %slice3A_93[0] : i32 from vector<1xi32>
    %slice3A_95 = vector.extract_strided_slice %get3A_86 {offsets = [4], sizes = [1], strides = [1]} : vector<16xi32> to vector<1xi32>
    %squeeze3A_96 = vector.extract %slice3A_95[0] : i32 from vector<1xi32>
    %slice3A_97 = vector.extract_strided_slice %get3A_86 {offsets = [5], sizes = [1], strides = [1]} : vector<16xi32> to vector<1xi32>
    %squeeze3A_98 = vector.extract %slice3A_97[0] : i32 from vector<1xi32>
    %slice3A_99 = vector.extract_strided_slice %get3A_86 {offsets = [6], sizes = [1], strides = [1]} : vector<16xi32> to vector<1xi32>
    %squeeze3A_100 = vector.extract %slice3A_99[0] : i32 from vector<1xi32>
    %slice3A_101 = vector.extract_strided_slice %get3A_86 {offsets = [7], sizes = [1], strides = [1]} : vector<16xi32> to vector<1xi32>
    %squeeze3A_102 = vector.extract %slice3A_101[0] : i32 from vector<1xi32>
    %slice3A_103 = vector.extract_strided_slice %get3A_86 {offsets = [8], sizes = [1], strides = [1]} : vector<16xi32> to vector<1xi32>
    %squeeze3A_104 = vector.extract %slice3A_103[0] : i32 from vector<1xi32>
    %slice3A_105 = vector.extract_strided_slice %get3A_86 {offsets = [9], sizes = [1], strides = [1]} : vector<16xi32> to vector<1xi32>
    %squeeze3A_106 = vector.extract %slice3A_105[0] : i32 from vector<1xi32>
    %slice3A_107 = vector.extract_strided_slice %get3A_86 {offsets = [10], sizes = [1], strides = [1]} : vector<16xi32> to vector<1xi32>
    %squeeze3A_108 = vector.extract %slice3A_107[0] : i32 from vector<1xi32>
    %slice3A_109 = vector.extract_strided_slice %get3A_86 {offsets = [11], sizes = [1], strides = [1]} : vector<16xi32> to vector<1xi32>
    %squeeze3A_110 = vector.extract %slice3A_109[0] : i32 from vector<1xi32>
    %slice3A_111 = vector.extract_strided_slice %get3A_86 {offsets = [12], sizes = [1], strides = [1]} : vector<16xi32> to vector<1xi32>
    %squeeze3A_112 = vector.extract %slice3A_111[0] : i32 from vector<1xi32>
    %slice3A_113 = vector.extract_strided_slice %get3A_86 {offsets = [13], sizes = [1], strides = [1]} : vector<16xi32> to vector<1xi32>
    %squeeze3A_114 = vector.extract %slice3A_113[0] : i32 from vector<1xi32>
    %slice3A_115 = vector.extract_strided_slice %get3A_86 {offsets = [14], sizes = [1], strides = [1]} : vector<16xi32> to vector<1xi32>
    %squeeze3A_116 = vector.extract %slice3A_115[0] : i32 from vector<1xi32>
    %slice3A_117 = vector.extract_strided_slice %get3A_86 {offsets = [15], sizes = [1], strides = [1]} : vector<16xi32> to vector<1xi32>
    %squeeze3A_118 = vector.extract %slice3A_117[0] : i32 from vector<1xi32>
    %slice3A_119 = vector.extract_strided_slice %get3A_90 {offsets = [0], sizes = [1], strides = [1]} : vector<16xi32> to vector<1xi32>
    %squeeze3A_120 = vector.extract %slice3A_119[0] : i32 from vector<1xi32>
    %slice3A_121 = vector.extract_strided_slice %get3A_90 {offsets = [1], sizes = [1], strides = [1]} : vector<16xi32> to vector<1xi32>
    %squeeze3A_122 = vector.extract %slice3A_121[0] : i32 from vector<1xi32>
    %slice3A_123 = vector.extract_strided_slice %get3A_90 {offsets = [2], sizes = [1], strides = [1]} : vector<16xi32> to vector<1xi32>
    %squeeze3A_124 = vector.extract %slice3A_123[0] : i32 from vector<1xi32>
    %slice3A_125 = vector.extract_strided_slice %get3A_90 {offsets = [3], sizes = [1], strides = [1]} : vector<16xi32> to vector<1xi32>
    %squeeze3A_126 = vector.extract %slice3A_125[0] : i32 from vector<1xi32>
    %slice3A_127 = vector.extract_strided_slice %get3A_90 {offsets = [4], sizes = [1], strides = [1]} : vector<16xi32> to vector<1xi32>
    %squeeze3A_128 = vector.extract %slice3A_127[0] : i32 from vector<1xi32>
    %slice3A_129 = vector.extract_strided_slice %get3A_90 {offsets = [5], sizes = [1], strides = [1]} : vector<16xi32> to vector<1xi32>
    %squeeze3A_130 = vector.extract %slice3A_129[0] : i32 from vector<1xi32>
    %slice3A_131 = vector.extract_strided_slice %get3A_90 {offsets = [6], sizes = [1], strides = [1]} : vector<16xi32> to vector<1xi32>
    %squeeze3A_132 = vector.extract %slice3A_131[0] : i32 from vector<1xi32>
    %slice3A_133 = vector.extract_strided_slice %get3A_90 {offsets = [7], sizes = [1], strides = [1]} : vector<16xi32> to vector<1xi32>
    %squeeze3A_134 = vector.extract %slice3A_133[0] : i32 from vector<1xi32>
    %slice3A_135 = vector.extract_strided_slice %get3A_90 {offsets = [8], sizes = [1], strides = [1]} : vector<16xi32> to vector<1xi32>
    %squeeze3A_136 = vector.extract %slice3A_135[0] : i32 from vector<1xi32>
    %slice3A_137 = vector.extract_strided_slice %get3A_90 {offsets = [9], sizes = [1], strides = [1]} : vector<16xi32> to vector<1xi32>
    %squeeze3A_138 = vector.extract %slice3A_137[0] : i32 from vector<1xi32>
    %slice3A_139 = vector.extract_strided_slice %get3A_90 {offsets = [10], sizes = [1], strides = [1]} : vector<16xi32> to vector<1xi32>
    %squeeze3A_140 = vector.extract %slice3A_139[0] : i32 from vector<1xi32>
    %slice3A_141 = vector.extract_strided_slice %get3A_90 {offsets = [11], sizes = [1], strides = [1]} : vector<16xi32> to vector<1xi32>
    %squeeze3A_142 = vector.extract %slice3A_141[0] : i32 from vector<1xi32>
    %dma_start3A = arith.constant 0 : i32
    %dma_start3A_143 = arith.constant 0 : i32
    %dma_start3A_144 = arith.constant 0 : i32
    %dma_start3A_145 = tpu.memref_slice %arg6[%dma_start3A_143, %dma_start3A_144] : memref<232x160xf32, #tpu.memory_space<vmem>> -> memref<29x160xf32, #tpu.memory_space<vmem>>
    %dma_start3A_146 = arith.constant 0 : i32
    %dma_start3A_147 = tpu.memref_slice %arg2[%squeeze3A_96, %squeeze3A_98, %dma_start3A_146] : memref<320x160x160xf32, #tpu.memory_space<hbm>> -> memref<1x29x160xf32, #tpu.memory_space<hbm>>
    %dma_start3A_148 = tpu.memref_squeeze %dma_start3A_147 : memref<1x29x160xf32, #tpu.memory_space<hbm>> -> memref<29x160xf32, #tpu.memory_space<hbm>>
    %dma_start3A_149 = tpu.memref_slice %arg8[%dma_start3A] : memref<2x!tpu.dma_semaphore, #tpu.memory_space<semaphore_mem>> -> memref<1x!tpu.dma_semaphore, #tpu.memory_space<semaphore_mem>>
    %dma_start3A_150 = tpu.memref_squeeze %dma_start3A_149 : memref<1x!tpu.dma_semaphore, #tpu.memory_space<semaphore_mem>> -> memref<!tpu.dma_semaphore, #tpu.memory_space<semaphore_mem>>
    %dma_start3A_151 = arith.constant 0 : i32
    %dma_start3A_152 = arith.constant 0 : i32
    %dma_start3A_153 = tpu.memref_slice %arg6[%dma_start3A_151, %dma_start3A_152] : memref<232x160xf32, #tpu.memory_space<vmem>> -> memref<29x160xf32, #tpu.memory_space<vmem>>
    %dma_start3A_154 = arith.constant 0 : i32
    %dma_start3A_155 = tpu.memref_slice %arg2[%squeeze3A_96, %squeeze3A_98, %dma_start3A_154] : memref<320x160x160xf32, #tpu.memory_space<hbm>> -> memref<1x29x160xf32, #tpu.memory_space<hbm>>
    %dma_start3A_156 = tpu.memref_squeeze %dma_start3A_155 : memref<1x29x160xf32, #tpu.memory_space<hbm>> -> memref<29x160xf32, #tpu.memory_space<hbm>>
    tpu.enqueue_dma source(%dma_start3A_156 : memref<29x160xf32, #tpu.memory_space<hbm>>) target(%dma_start3A_153 : memref<29x160xf32, #tpu.memory_space<vmem>>) target_semaphore(%dma_start3A_150 : memref<!tpu.dma_semaphore, #tpu.memory_space<semaphore_mem>>)
    %dma_start3A_157 = arith.constant 0 : i32
    %dma_start3A_158 = arith.constant 29 : i32
    %dma_start3A_159 = arith.constant 0 : i32
    %dma_start3A_160 = tpu.memref_slice %arg6[%dma_start3A_158, %dma_start3A_159] : memref<232x160xf32, #tpu.memory_space<vmem>> -> memref<29x160xf32, #tpu.memory_space<vmem>>
    %dma_start3A_161 = arith.constant 0 : i32
    %dma_start3A_162 = tpu.memref_slice %arg2[%squeeze3A_108, %squeeze3A_110, %dma_start3A_161] : memref<320x160x160xf32, #tpu.memory_space<hbm>> -> memref<1x29x160xf32, #tpu.memory_space<hbm>>
    %dma_start3A_163 = tpu.memref_squeeze %dma_start3A_162 : memref<1x29x160xf32, #tpu.memory_space<hbm>> -> memref<29x160xf32, #tpu.memory_space<hbm>>
    %dma_start3A_164 = tpu.memref_slice %arg8[%dma_start3A_157] : memref<2x!tpu.dma_semaphore, #tpu.memory_space<semaphore_mem>> -> memref<1x!tpu.dma_semaphore, #tpu.memory_space<semaphore_mem>>
    %dma_start3A_165 = tpu.memref_squeeze %dma_start3A_164 : memref<1x!tpu.dma_semaphore, #tpu.memory_space<semaphore_mem>> -> memref<!tpu.dma_semaphore, #tpu.memory_space<semaphore_mem>>
    %dma_start3A_166 = arith.constant 29 : i32
    %dma_start3A_167 = arith.constant 0 : i32
    %dma_start3A_168 = tpu.memref_slice %arg6[%dma_start3A_166, %dma_start3A_167] : memref<232x160xf32, #tpu.memory_space<vmem>> -> memref<29x160xf32, #tpu.memory_space<vmem>>
    %dma_start3A_169 = arith.constant 0 : i32
    %dma_start3A_170 = tpu.memref_slice %arg2[%squeeze3A_108, %squeeze3A_110, %dma_start3A_169] : memref<320x160x160xf32, #tpu.memory_space<hbm>> -> memref<1x29x160xf32, #tpu.memory_space<hbm>>
    %dma_start3A_171 = tpu.memref_squeeze %dma_start3A_170 : memref<1x29x160xf32, #tpu.memory_space<hbm>> -> memref<29x160xf32, #tpu.memory_space<hbm>>
    tpu.enqueue_dma source(%dma_start3A_171 : memref<29x160xf32, #tpu.memory_space<hbm>>) target(%dma_start3A_168 : memref<29x160xf32, #tpu.memory_space<vmem>>) target_semaphore(%dma_start3A_165 : memref<!tpu.dma_semaphore, #tpu.memory_space<semaphore_mem>>)
    %dma_start3A_172 = arith.constant 0 : i32
    %dma_start3A_173 = arith.constant 58 : i32
    %dma_start3A_174 = arith.constant 0 : i32
    %dma_start3A_175 = tpu.memref_slice %arg6[%dma_start3A_173, %dma_start3A_174] : memref<232x160xf32, #tpu.memory_space<vmem>> -> memref<29x160xf32, #tpu.memory_space<vmem>>
    %dma_start3A_176 = arith.constant 0 : i32
    %dma_start3A_177 = tpu.memref_slice %arg2[%squeeze3A_120, %squeeze3A_122, %dma_start3A_176] : memref<320x160x160xf32, #tpu.memory_space<hbm>> -> memref<1x29x160xf32, #tpu.memory_space<hbm>>
    %dma_start3A_178 = tpu.memref_squeeze %dma_start3A_177 : memref<1x29x160xf32, #tpu.memory_space<hbm>> -> memref<29x160xf32, #tpu.memory_space<hbm>>
    %dma_start3A_179 = tpu.memref_slice %arg8[%dma_start3A_172] : memref<2x!tpu.dma_semaphore, #tpu.memory_space<semaphore_mem>> -> memref<1x!tpu.dma_semaphore, #tpu.memory_space<semaphore_mem>>
    %dma_start3A_180 = tpu.memref_squeeze %dma_start3A_179 : memref<1x!tpu.dma_semaphore, #tpu.memory_space<semaphore_mem>> -> memref<!tpu.dma_semaphore, #tpu.memory_space<semaphore_mem>>
    %dma_start3A_181 = arith.constant 58 : i32
    %dma_start3A_182 = arith.constant 0 : i32
    %dma_start3A_183 = tpu.memref_slice %arg6[%dma_start3A_181, %dma_start3A_182] : memref<232x160xf32, #tpu.memory_space<vmem>> -> memref<29x160xf32, #tpu.memory_space<vmem>>
    %dma_start3A_184 = arith.constant 0 : i32
    %dma_start3A_185 = tpu.memref_slice %arg2[%squeeze3A_120, %squeeze3A_122, %dma_start3A_184] : memref<320x160x160xf32, #tpu.memory_space<hbm>> -> memref<1x29x160xf32, #tpu.memory_space<hbm>>
    %dma_start3A_186 = tpu.memref_squeeze %dma_start3A_185 : memref<1x29x160xf32, #tpu.memory_space<hbm>> -> memref<29x160xf32, #tpu.memory_space<hbm>>
    tpu.enqueue_dma source(%dma_start3A_186 : memref<29x160xf32, #tpu.memory_space<hbm>>) target(%dma_start3A_183 : memref<29x160xf32, #tpu.memory_space<vmem>>) target_semaphore(%dma_start3A_180 : memref<!tpu.dma_semaphore, #tpu.memory_space<semaphore_mem>>)
    %dma_start3A_187 = arith.constant 0 : i32
    %dma_start3A_188 = arith.constant 87 : i32
    %dma_start3A_189 = arith.constant 0 : i32
    %dma_start3A_190 = tpu.memref_slice %arg6[%dma_start3A_188, %dma_start3A_189] : memref<232x160xf32, #tpu.memory_space<vmem>> -> memref<29x160xf32, #tpu.memory_space<vmem>>
    %dma_start3A_191 = arith.constant 0 : i32
    %dma_start3A_192 = tpu.memref_slice %arg2[%squeeze3A_132, %squeeze3A_134, %dma_start3A_191] : memref<320x160x160xf32, #tpu.memory_space<hbm>> -> memref<1x29x160xf32, #tpu.memory_space<hbm>>
    %dma_start3A_193 = tpu.memref_squeeze %dma_start3A_192 : memref<1x29x160xf32, #tpu.memory_space<hbm>> -> memref<29x160xf32, #tpu.memory_space<hbm>>
    %dma_start3A_194 = tpu.memref_slice %arg8[%dma_start3A_187] : memref<2x!tpu.dma_semaphore, #tpu.memory_space<semaphore_mem>> -> memref<1x!tpu.dma_semaphore, #tpu.memory_space<semaphore_mem>>
    %dma_start3A_195 = tpu.memref_squeeze %dma_start3A_194 : memref<1x!tpu.dma_semaphore, #tpu.memory_space<semaphore_mem>> -> memref<!tpu.dma_semaphore, #tpu.memory_space<semaphore_mem>>
    %dma_start3A_196 = arith.constant 87 : i32
    %dma_start3A_197 = arith.constant 0 : i32
    %dma_start3A_198 = tpu.memref_slice %arg6[%dma_start3A_196, %dma_start3A_197] : memref<232x160xf32, #tpu.memory_space<vmem>> -> memref<29x160xf32, #tpu.memory_space<vmem>>
    %dma_start3A_199 = arith.constant 0 : i32
    %dma_start3A_200 = tpu.memref_slice %arg2[%squeeze3A_132, %squeeze3A_134, %dma_start3A_199] : memref<320x160x160xf32, #tpu.memory_space<hbm>> -> memref<1x29x160xf32, #tpu.memory_space<hbm>>
    %dma_start3A_201 = tpu.memref_squeeze %dma_start3A_200 : memref<1x29x160xf32, #tpu.memory_space<hbm>> -> memref<29x160xf32, #tpu.memory_space<hbm>>
    tpu.enqueue_dma source(%dma_start3A_201 : memref<29x160xf32, #tpu.memory_space<hbm>>) target(%dma_start3A_198 : memref<29x160xf32, #tpu.memory_space<vmem>>) target_semaphore(%dma_start3A_195 : memref<!tpu.dma_semaphore, #tpu.memory_space<semaphore_mem>>)
    %mul3A_202 = arith.constant 0 : i32
    %mul3A_203 = arith.muli %squeeze3A, %mul3A_202 : i32
    %mul3A_204 = arith.constant 0 : i32
    %mul3A_205 = arith.muli %squeeze3A, %mul3A_204 : i32
    %mul3A_206 = arith.constant 0 : i32
    %mul3A_207 = arith.muli %squeeze3A, %mul3A_206 : i32
    %add3A_208 = arith.constant 29 : i32
    %add3A_209 = arith.addi %mul3A_207, %add3A_208 : i32
    %scan3A = arith.constant 0 : i32
    %scan3A_210 = arith.constant 60 : i32
    %scan3A_211 = arith.addi %scan3A, %scan3A_210 : i32
    %scan3A_212 = arith.constant 1 : i32
    %scan3A_213:33 = scf.for %scan3A_233 = %scan3A to %scan3A_211 step %scan3A_212 iter_args(%scan3A_234 = %squeeze3A, %scan3A_235 = %squeeze3A_92, %scan3A_236 = %squeeze3A_94, %scan3A_237 = %squeeze3A_96, %scan3A_238 = %squeeze3A_98, %scan3A_239 = %squeeze3A_100, %scan3A_240 = %squeeze3A_102, %scan3A_241 = %squeeze3A_104, %scan3A_242 = %squeeze3A_106, %scan3A_243 = %squeeze3A_108, %scan3A_244 = %squeeze3A_110, %scan3A_245 = %squeeze3A_112, %scan3A_246 = %squeeze3A_114, %scan3A_247 = %squeeze3A_116, %scan3A_248 = %squeeze3A_118, %scan3A_249 = %squeeze3A_120, %scan3A_250 = %squeeze3A_122, %scan3A_251 = %squeeze3A_124, %scan3A_252 = %squeeze3A_126, %scan3A_253 = %squeeze3A_128, %scan3A_254 = %squeeze3A_130, %scan3A_255 = %squeeze3A_132, %scan3A_256 = %squeeze3A_134, %scan3A_257 = %squeeze3A_136, %scan3A_258 = %squeeze3A_138, %scan3A_259 = %squeeze3A_140, %scan3A_260 = %squeeze3A_142, %scan3A_261 = %mul3A_203, %scan3A_262 = %mul3A_205, %scan3A_263 = %add3A_209, %scan3A_264 = %mul3A_203, %scan3A_265 = %mul3A_205, %scan3A_266 = %add3A_209) -> (i32, i32, i32, i32, i32, i32, i32, i32, i32, i32, i32, i32, i32, i32, i32, i32, i32, i32, i32, i32, i32, i32, i32, i32, i32, i32, i32, i32, i32, i32, i32, i32, i32)  : i32 {
      %rem3A = arith.constant 2 : i32
      %rem3A_267 = arith.remsi %scan3A_233, %rem3A : i32
      %add3A_268 = arith.constant 1 : i32
      %add3A_269 = arith.addi %scan3A_233, %add3A_268 : i32
      %get3A_270 = arith.index_cast %add3A_269 : i32 to index
      %get3A_271 = arith.constant 0 : index
      %get3A_272 = tpu.vector_load %arg5[%get3A_270, %get3A_271] {strides = array<i32>} : memref<61x32xi32, #tpu.memory_space<vmem>>, vector<16xi32>,
      %get3A_273 = arith.index_cast %add3A_269 : i32 to index
      %get3A_274 = arith.constant 16 : index
      %get3A_275 = tpu.vector_load %arg5[%get3A_273, %get3A_274] {strides = array<i32>} : memref<61x32xi32, #tpu.memory_space<vmem>>, vector<16xi32>,
      %slice3A_276 = vector.extract_strided_slice %get3A_272 {offsets = [0], sizes = [1], strides = [1]} : vector<16xi32> to vector<1xi32>
      %squeeze3A_277 = vector.extract %slice3A_276[0] : i32 from vector<1xi32>
      %slice3A_278 = vector.extract_strided_slice %get3A_272 {offsets = [1], sizes = [1], strides = [1]} : vector<16xi32> to vector<1xi32>
      %squeeze3A_279 = vector.extract %slice3A_278[0] : i32 from vector<1xi32>
      %slice3A_280 = vector.extract_strided_slice %get3A_272 {offsets = [2], sizes = [1], strides = [1]} : vector<16xi32> to vector<1xi32>
      %squeeze3A_281 = vector.extract %slice3A_280[0] : i32 from vector<1xi32>
      %slice3A_282 = vector.extract_strided_slice %get3A_272 {offsets = [4], sizes = [1], strides = [1]} : vector<16xi32> to vector<1xi32>
      %squeeze3A_283 = vector.extract %slice3A_282[0] : i32 from vector<1xi32>
      %slice3A_284 = vector.extract_strided_slice %get3A_272 {offsets = [5], sizes = [1], strides = [1]} : vector<16xi32> to vector<1xi32>
      %squeeze3A_285 = vector.extract %slice3A_284[0] : i32 from vector<1xi32>
      %slice3A_286 = vector.extract_strided_slice %get3A_272 {offsets = [6], sizes = [1], strides = [1]} : vector<16xi32> to vector<1xi32>
      %squeeze3A_287 = vector.extract %slice3A_286[0] : i32 from vector<1xi32>
      %slice3A_288 = vector.extract_strided_slice %get3A_272 {offsets = [7], sizes = [1], strides = [1]} : vector<16xi32> to vector<1xi32>
      %squeeze3A_289 = vector.extract %slice3A_288[0] : i32 from vector<1xi32>
      %slice3A_290 = vector.extract_strided_slice %get3A_272 {offsets = [8], sizes = [1], strides = [1]} : vector<16xi32> to vector<1xi32>
      %squeeze3A_291 = vector.extract %slice3A_290[0] : i32 from vector<1xi32>
      %slice3A_292 = vector.extract_strided_slice %get3A_272 {offsets = [9], sizes = [1], strides = [1]} : vector<16xi32> to vector<1xi32>
      %squeeze3A_293 = vector.extract %slice3A_292[0] : i32 from vector<1xi32>
      %slice3A_294 = vector.extract_strided_slice %get3A_272 {offsets = [10], sizes = [1], strides = [1]} : vector<16xi32> to vector<1xi32>
      %squeeze3A_295 = vector.extract %slice3A_294[0] : i32 from vector<1xi32>
      %slice3A_296 = vector.extract_strided_slice %get3A_272 {offsets = [11], sizes = [1], strides = [1]} : vector<16xi32> to vector<1xi32>
      %squeeze3A_297 = vector.extract %slice3A_296[0] : i32 from vector<1xi32>
      %slice3A_298 = vector.extract_strided_slice %get3A_272 {offsets = [12], sizes = [1], strides = [1]} : vector<16xi32> to vector<1xi32>
      %squeeze3A_299 = vector.extract %slice3A_298[0] : i32 from vector<1xi32>
      %slice3A_300 = vector.extract_strided_slice %get3A_272 {offsets = [13], sizes = [1], strides = [1]} : vector<16xi32> to vector<1xi32>
      %squeeze3A_301 = vector.extract %slice3A_300[0] : i32 from vector<1xi32>
      %slice3A_302 = vector.extract_strided_slice %get3A_272 {offsets = [14], sizes = [1], strides = [1]} : vector<16xi32> to vector<1xi32>
      %squeeze3A_303 = vector.extract %slice3A_302[0] : i32 from vector<1xi32>
      %slice3A_304 = vector.extract_strided_slice %get3A_272 {offsets = [15], sizes = [1], strides = [1]} : vector<16xi32> to vector<1xi32>
      %squeeze3A_305 = vector.extract %slice3A_304[0] : i32 from vector<1xi32>
      %slice3A_306 = vector.extract_strided_slice %get3A_275 {offsets = [0], sizes = [1], strides = [1]} : vector<16xi32> to vector<1xi32>
      %squeeze3A_307 = vector.extract %slice3A_306[0] : i32 from vector<1xi32>
      %slice3A_308 = vector.extract_strided_slice %get3A_275 {offsets = [1], sizes = [1], strides = [1]} : vector<16xi32> to vector<1xi32>
      %squeeze3A_309 = vector.extract %slice3A_308[0] : i32 from vector<1xi32>
      %slice3A_310 = vector.extract_strided_slice %get3A_275 {offsets = [2], sizes = [1], strides = [1]} : vector<16xi32> to vector<1xi32>
      %squeeze3A_311 = vector.extract %slice3A_310[0] : i32 from vector<1xi32>
      %slice3A_312 = vector.extract_strided_slice %get3A_275 {offsets = [3], sizes = [1], strides = [1]} : vector<16xi32> to vector<1xi32>
      %squeeze3A_313 = vector.extract %slice3A_312[0] : i32 from vector<1xi32>
      %slice3A_314 = vector.extract_strided_slice %get3A_275 {offsets = [4], sizes = [1], strides = [1]} : vector<16xi32> to vector<1xi32>
      %squeeze3A_315 = vector.extract %slice3A_314[0] : i32 from vector<1xi32>
      %slice3A_316 = vector.extract_strided_slice %get3A_275 {offsets = [5], sizes = [1], strides = [1]} : vector<16xi32> to vector<1xi32>
      %squeeze3A_317 = vector.extract %slice3A_316[0] : i32 from vector<1xi32>
      %slice3A_318 = vector.extract_strided_slice %get3A_275 {offsets = [6], sizes = [1], strides = [1]} : vector<16xi32> to vector<1xi32>
      %squeeze3A_319 = vector.extract %slice3A_318[0] : i32 from vector<1xi32>
      %slice3A_320 = vector.extract_strided_slice %get3A_275 {offsets = [7], sizes = [1], strides = [1]} : vector<16xi32> to vector<1xi32>
      %squeeze3A_321 = vector.extract %slice3A_320[0] : i32 from vector<1xi32>
      %slice3A_322 = vector.extract_strided_slice %get3A_275 {offsets = [8], sizes = [1], strides = [1]} : vector<16xi32> to vector<1xi32>
      %squeeze3A_323 = vector.extract %slice3A_322[0] : i32 from vector<1xi32>
      %slice3A_324 = vector.extract_strided_slice %get3A_275 {offsets = [9], sizes = [1], strides = [1]} : vector<16xi32> to vector<1xi32>
      %squeeze3A_325 = vector.extract %slice3A_324[0] : i32 from vector<1xi32>
      %slice3A_326 = vector.extract_strided_slice %get3A_275 {offsets = [10], sizes = [1], strides = [1]} : vector<16xi32> to vector<1xi32>
      %squeeze3A_327 = vector.extract %slice3A_326[0] : i32 from vector<1xi32>
      %slice3A_328 = vector.extract_strided_slice %get3A_275 {offsets = [11], sizes = [1], strides = [1]} : vector<16xi32> to vector<1xi32>
      %squeeze3A_329 = vector.extract %slice3A_328[0] : i32 from vector<1xi32>
      %lt3A = arith.constant 59 : i32
      %lt3A_330 = arith.cmpi slt, %scan3A_233, %lt3A : i32
      %convert_element_type3A_331 = arith.extui %lt3A_330 : i1 to i32
      %cond3A_332 = arith.constant 0 : i32
      %cond3A_333 = arith.cmpi ne, %convert_element_type3A_331, %cond3A_332 : i32
      scf.if %cond3A_333 {
        %sub3A_557 = arith.constant 1 : i32
        %sub3A_558 = arith.subi %sub3A_557, %rem3A_267 : i32
        %mul3A_559 = arith.constant 4 : i32
        %mul3A_560 = arith.muli %sub3A_558, %mul3A_559 : i32
        %add3A_561 = arith.constant 0 : i32
        %add3A_562 = arith.addi %mul3A_560, %add3A_561 : i32
        %mul3A_563 = arith.constant 29 : i32
        %mul3A_564 = arith.muli %add3A_562, %mul3A_563 : i32
        %dma_start3A_565 = arith.constant 0 : i32
        %dma_start3A_566 = tpu.memref_slice %arg6[%mul3A_564, %dma_start3A_565] : memref<232x160xf32, #tpu.memory_space<vmem>> -> memref<29x160xf32, #tpu.memory_space<vmem>>
        %dma_start3A_567 = arith.constant 0 : i32
        %dma_start3A_568 = tpu.memref_slice %arg2[%squeeze3A_283, %squeeze3A_285, %dma_start3A_567] : memref<320x160x160xf32, #tpu.memory_space<hbm>> -> memref<1x29x160xf32, #tpu.memory_space<hbm>>
        %dma_start3A_569 = tpu.memref_squeeze %dma_start3A_568 : memref<1x29x160xf32, #tpu.memory_space<hbm>> -> memref<29x160xf32, #tpu.memory_space<hbm>>
        %dma_start3A_570 = tpu.memref_slice %arg8[%sub3A_558] : memref<2x!tpu.dma_semaphore, #tpu.memory_space<semaphore_mem>> -> memref<1x!tpu.dma_semaphore, #tpu.memory_space<semaphore_mem>>
        %dma_start3A_571 = tpu.memref_squeeze %dma_start3A_570 : memref<1x!tpu.dma_semaphore, #tpu.memory_space<semaphore_mem>> -> memref<!tpu.dma_semaphore, #tpu.memory_space<semaphore_mem>>
        %dma_start3A_572 = arith.constant 0 : i32
        %dma_start3A_573 = tpu.memref_slice %arg6[%mul3A_564, %dma_start3A_572] : memref<232x160xf32, #tpu.memory_space<vmem>> -> memref<29x160xf32, #tpu.memory_space<vmem>>
        %dma_start3A_574 = arith.constant 0 : i32
        %dma_start3A_575 = tpu.memref_slice %arg2[%squeeze3A_283, %squeeze3A_285, %dma_start3A_574] : memref<320x160x160xf32, #tpu.memory_space<hbm>> -> memref<1x29x160xf32, #tpu.memory_space<hbm>>
        %dma_start3A_576 = tpu.memref_squeeze %dma_start3A_575 : memref<1x29x160xf32, #tpu.memory_space<hbm>> -> memref<29x160xf32, #tpu.memory_space<hbm>>
        tpu.enqueue_dma source(%dma_start3A_576 : memref<29x160xf32, #tpu.memory_space<hbm>>) target(%dma_start3A_573 : memref<29x160xf32, #tpu.memory_space<vmem>>) target_semaphore(%dma_start3A_571 : memref<!tpu.dma_semaphore, #tpu.memory_space<semaphore_mem>>)
        %mul3A_577 = arith.constant 4 : i32
        %mul3A_578 = arith.muli %sub3A_558, %mul3A_577 : i32
        %add3A_579 = arith.constant 1 : i32
        %add3A_580 = arith.addi %mul3A_578, %add3A_579 : i32
        %mul3A_581 = arith.constant 29 : i32
        %mul3A_582 = arith.muli %add3A_580, %mul3A_581 : i32
        %dma_start3A_583 = arith.constant 0 : i32
        %dma_start3A_584 = tpu.memref_slice %arg6[%mul3A_582, %dma_start3A_583] : memref<232x160xf32, #tpu.memory_space<vmem>> -> memref<29x160xf32, #tpu.memory_space<vmem>>
        %dma_start3A_585 = arith.constant 0 : i32
        %dma_start3A_586 = tpu.memref_slice %arg2[%squeeze3A_295, %squeeze3A_297, %dma_start3A_585] : memref<320x160x160xf32, #tpu.memory_space<hbm>> -> memref<1x29x160xf32, #tpu.memory_space<hbm>>
        %dma_start3A_587 = tpu.memref_squeeze %dma_start3A_586 : memref<1x29x160xf32, #tpu.memory_space<hbm>> -> memref<29x160xf32, #tpu.memory_space<hbm>>
        %dma_start3A_588 = tpu.memref_slice %arg8[%sub3A_558] : memref<2x!tpu.dma_semaphore, #tpu.memory_space<semaphore_mem>> -> memref<1x!tpu.dma_semaphore, #tpu.memory_space<semaphore_mem>>
        %dma_start3A_589 = tpu.memref_squeeze %dma_start3A_588 : memref<1x!tpu.dma_semaphore, #tpu.memory_space<semaphore_mem>> -> memref<!tpu.dma_semaphore, #tpu.memory_space<semaphore_mem>>
        %dma_start3A_590 = arith.constant 0 : i32
        %dma_start3A_591 = tpu.memref_slice %arg6[%mul3A_582, %dma_start3A_590] : memref<232x160xf32, #tpu.memory_space<vmem>> -> memref<29x160xf32, #tpu.memory_space<vmem>>
        %dma_start3A_592 = arith.constant 0 : i32
        %dma_start3A_593 = tpu.memref_slice %arg2[%squeeze3A_295, %squeeze3A_297, %dma_start3A_592] : memref<320x160x160xf32, #tpu.memory_space<hbm>> -> memref<1x29x160xf32, #tpu.memory_space<hbm>>
        %dma_start3A_594 = tpu.memref_squeeze %dma_start3A_593 : memref<1x29x160xf32, #tpu.memory_space<hbm>> -> memref<29x160xf32, #tpu.memory_space<hbm>>
        tpu.enqueue_dma source(%dma_start3A_594 : memref<29x160xf32, #tpu.memory_space<hbm>>) target(%dma_start3A_591 : memref<29x160xf32, #tpu.memory_space<vmem>>) target_semaphore(%dma_start3A_589 : memref<!tpu.dma_semaphore, #tpu.memory_space<semaphore_mem>>)
        %mul3A_595 = arith.constant 4 : i32
        %mul3A_596 = arith.muli %sub3A_558, %mul3A_595 : i32
        %add3A_597 = arith.constant 2 : i32
        %add3A_598 = arith.addi %mul3A_596, %add3A_597 : i32
        %mul3A_599 = arith.constant 29 : i32
        %mul3A_600 = arith.muli %add3A_598, %mul3A_599 : i32
        %dma_start3A_601 = arith.constant 0 : i32
        %dma_start3A_602 = tpu.memref_slice %arg6[%mul3A_600, %dma_start3A_601] : memref<232x160xf32, #tpu.memory_space<vmem>> -> memref<29x160xf32, #tpu.memory_space<vmem>>
        %dma_start3A_603 = arith.constant 0 : i32
        %dma_start3A_604 = tpu.memref_slice %arg2[%squeeze3A_307, %squeeze3A_309, %dma_start3A_603] : memref<320x160x160xf32, #tpu.memory_space<hbm>> -> memref<1x29x160xf32, #tpu.memory_space<hbm>>
        %dma_start3A_605 = tpu.memref_squeeze %dma_start3A_604 : memref<1x29x160xf32, #tpu.memory_space<hbm>> -> memref<29x160xf32, #tpu.memory_space<hbm>>
        %dma_start3A_606 = tpu.memref_slice %arg8[%sub3A_558] : memref<2x!tpu.dma_semaphore, #tpu.memory_space<semaphore_mem>> -> memref<1x!tpu.dma_semaphore, #tpu.memory_space<semaphore_mem>>
        %dma_start3A_607 = tpu.memref_squeeze %dma_start3A_606 : memref<1x!tpu.dma_semaphore, #tpu.memory_space<semaphore_mem>> -> memref<!tpu.dma_semaphore, #tpu.memory_space<semaphore_mem>>
        %dma_start3A_608 = arith.constant 0 : i32
        %dma_start3A_609 = tpu.memref_slice %arg6[%mul3A_600, %dma_start3A_608] : memref<232x160xf32, #tpu.memory_space<vmem>> -> memref<29x160xf32, #tpu.memory_space<vmem>>
        %dma_start3A_610 = arith.constant 0 : i32
        %dma_start3A_611 = tpu.memref_slice %arg2[%squeeze3A_307, %squeeze3A_309, %dma_start3A_610] : memref<320x160x160xf32, #tpu.memory_space<hbm>> -> memref<1x29x160xf32, #tpu.memory_space<hbm>>
        %dma_start3A_612 = tpu.memref_squeeze %dma_start3A_611 : memref<1x29x160xf32, #tpu.memory_space<hbm>> -> memref<29x160xf32, #tpu.memory_space<hbm>>
        tpu.enqueue_dma source(%dma_start3A_612 : memref<29x160xf32, #tpu.memory_space<hbm>>) target(%dma_start3A_609 : memref<29x160xf32, #tpu.memory_space<vmem>>) target_semaphore(%dma_start3A_607 : memref<!tpu.dma_semaphore, #tpu.memory_space<semaphore_mem>>)
        %mul3A_613 = arith.constant 4 : i32
        %mul3A_614 = arith.muli %sub3A_558, %mul3A_613 : i32
        %add3A_615 = arith.constant 3 : i32
        %add3A_616 = arith.addi %mul3A_614, %add3A_615 : i32
        %mul3A_617 = arith.constant 29 : i32
        %mul3A_618 = arith.muli %add3A_616, %mul3A_617 : i32
        %dma_start3A_619 = arith.constant 0 : i32
        %dma_start3A_620 = tpu.memref_slice %arg6[%mul3A_618, %dma_start3A_619] : memref<232x160xf32, #tpu.memory_space<vmem>> -> memref<29x160xf32, #tpu.memory_space<vmem>>
        %dma_start3A_621 = arith.constant 0 : i32
        %dma_start3A_622 = tpu.memref_slice %arg2[%squeeze3A_319, %squeeze3A_321, %dma_start3A_621] : memref<320x160x160xf32, #tpu.memory_space<hbm>> -> memref<1x29x160xf32, #tpu.memory_space<hbm>>
        %dma_start3A_623 = tpu.memref_squeeze %dma_start3A_622 : memref<1x29x160xf32, #tpu.memory_space<hbm>> -> memref<29x160xf32, #tpu.memory_space<hbm>>
        %dma_start3A_624 = tpu.memref_slice %arg8[%sub3A_558] : memref<2x!tpu.dma_semaphore, #tpu.memory_space<semaphore_mem>> -> memref<1x!tpu.dma_semaphore, #tpu.memory_space<semaphore_mem>>
        %dma_start3A_625 = tpu.memref_squeeze %dma_start3A_624 : memref<1x!tpu.dma_semaphore, #tpu.memory_space<semaphore_mem>> -> memref<!tpu.dma_semaphore, #tpu.memory_space<semaphore_mem>>
        %dma_start3A_626 = arith.constant 0 : i32
        %dma_start3A_627 = tpu.memref_slice %arg6[%mul3A_618, %dma_start3A_626] : memref<232x160xf32, #tpu.memory_space<vmem>> -> memref<29x160xf32, #tpu.memory_space<vmem>>
        %dma_start3A_628 = arith.constant 0 : i32
        %dma_start3A_629 = tpu.memref_slice %arg2[%squeeze3A_319, %squeeze3A_321, %dma_start3A_628] : memref<320x160x160xf32, #tpu.memory_space<hbm>> -> memref<1x29x160xf32, #tpu.memory_space<hbm>>
        %dma_start3A_630 = tpu.memref_squeeze %dma_start3A_629 : memref<1x29x160xf32, #tpu.memory_space<hbm>> -> memref<29x160xf32, #tpu.memory_space<hbm>>
        tpu.enqueue_dma source(%dma_start3A_630 : memref<29x160xf32, #tpu.memory_space<hbm>>) target(%dma_start3A_627 : memref<29x160xf32, #tpu.memory_space<vmem>>) target_semaphore(%dma_start3A_625 : memref<!tpu.dma_semaphore, #tpu.memory_space<semaphore_mem>>)
      } else {
      }
      %mul3A_334 = arith.constant 4 : i32
      %mul3A_335 = arith.muli %rem3A_267, %mul3A_334 : i32
      %add3A_336 = arith.constant 0 : i32
      %add3A_337 = arith.addi %mul3A_335, %add3A_336 : i32
      %mul3A_338 = arith.constant 29 : i32
      %mul3A_339 = arith.muli %add3A_337, %mul3A_338 : i32
      %dma_wait3A = arith.constant 0 : i32
      %dma_wait3A_340 = tpu.memref_slice %arg6[%mul3A_339, %dma_wait3A] : memref<232x160xf32, #tpu.memory_space<vmem>> -> memref<29x160xf32, #tpu.memory_space<vmem>>
      %dma_wait3A_341 = arith.constant 0 : i32
      %dma_wait3A_342 = tpu.memref_slice %arg2[%scan3A_237, %scan3A_238, %dma_wait3A_341] : memref<320x160x160xf32, #tpu.memory_space<hbm>> -> memref<1x29x160xf32, #tpu.memory_space<hbm>>
      %dma_wait3A_343 = tpu.memref_squeeze %dma_wait3A_342 : memref<1x29x160xf32, #tpu.memory_space<hbm>> -> memref<29x160xf32, #tpu.memory_space<hbm>>
      %dma_wait3A_344 = tpu.memref_slice %arg8[%rem3A_267] : memref<2x!tpu.dma_semaphore, #tpu.memory_space<semaphore_mem>> -> memref<1x!tpu.dma_semaphore, #tpu.memory_space<semaphore_mem>>
      %dma_wait3A_345 = tpu.memref_squeeze %dma_wait3A_344 : memref<1x!tpu.dma_semaphore, #tpu.memory_space<semaphore_mem>> -> memref<!tpu.dma_semaphore, #tpu.memory_space<semaphore_mem>>
      %dma_wait3A_346 = arith.constant 0 : i32
      %dma_wait3A_347 = tpu.memref_slice %arg6[%mul3A_339, %dma_wait3A_346] : memref<232x160xf32, #tpu.memory_space<vmem>> -> memref<29x160xf32, #tpu.memory_space<vmem>>
      %dma_wait3A_348 = arith.constant 0 : i32
      %dma_wait3A_349 = tpu.memref_slice %arg2[%scan3A_237, %scan3A_238, %dma_wait3A_348] : memref<320x160x160xf32, #tpu.memory_space<hbm>> -> memref<1x29x160xf32, #tpu.memory_space<hbm>>
      %dma_wait3A_350 = tpu.memref_squeeze %dma_wait3A_349 : memref<1x29x160xf32, #tpu.memory_space<hbm>> -> memref<29x160xf32, #tpu.memory_space<hbm>>
      tpu.wait_dma2 semaphore(%dma_wait3A_345 : memref<!tpu.dma_semaphore, #tpu.memory_space<semaphore_mem>>) src(%dma_wait3A_350 : memref<29x160xf32, #tpu.memory_space<hbm>>) dst(%dma_wait3A_347 : memref<29x160xf32, #tpu.memory_space<vmem>>)
      %mul3A_351 = arith.constant 4 : i32
      %mul3A_352 = arith.muli %rem3A_267, %mul3A_351 : i32
      %add3A_353 = arith.constant 1 : i32
      %add3A_354 = arith.addi %mul3A_352, %add3A_353 : i32
      %mul3A_355 = arith.constant 29 : i32
      %mul3A_356 = arith.muli %add3A_354, %mul3A_355 : i32
      %dma_wait3A_357 = arith.constant 0 : i32
      %dma_wait3A_358 = tpu.memref_slice %arg6[%mul3A_356, %dma_wait3A_357] : memref<232x160xf32, #tpu.memory_space<vmem>> -> memref<29x160xf32, #tpu.memory_space<vmem>>
      %dma_wait3A_359 = arith.constant 0 : i32
      %dma_wait3A_360 = tpu.memref_slice %arg2[%scan3A_243, %scan3A_244, %dma_wait3A_359] : memref<320x160x160xf32, #tpu.memory_space<hbm>> -> memref<1x29x160xf32, #tpu.memory_space<hbm>>
      %dma_wait3A_361 = tpu.memref_squeeze %dma_wait3A_360 : memref<1x29x160xf32, #tpu.memory_space<hbm>> -> memref<29x160xf32, #tpu.memory_space<hbm>>
      %dma_wait3A_362 = tpu.memref_slice %arg8[%rem3A_267] : memref<2x!tpu.dma_semaphore, #tpu.memory_space<semaphore_mem>> -> memref<1x!tpu.dma_semaphore, #tpu.memory_space<semaphore_mem>>
      %dma_wait3A_363 = tpu.memref_squeeze %dma_wait3A_362 : memref<1x!tpu.dma_semaphore, #tpu.memory_space<semaphore_mem>> -> memref<!tpu.dma_semaphore, #tpu.memory_space<semaphore_mem>>
      %dma_wait3A_364 = arith.constant 0 : i32
      %dma_wait3A_365 = tpu.memref_slice %arg6[%mul3A_356, %dma_wait3A_364] : memref<232x160xf32, #tpu.memory_space<vmem>> -> memref<29x160xf32, #tpu.memory_space<vmem>>
      %dma_wait3A_366 = arith.constant 0 : i32
      %dma_wait3A_367 = tpu.memref_slice %arg2[%scan3A_243, %scan3A_244, %dma_wait3A_366] : memref<320x160x160xf32, #tpu.memory_space<hbm>> -> memref<1x29x160xf32, #tpu.memory_space<hbm>>
      %dma_wait3A_368 = tpu.memref_squeeze %dma_wait3A_367 : memref<1x29x160xf32, #tpu.memory_space<hbm>> -> memref<29x160xf32, #tpu.memory_space<hbm>>
      tpu.wait_dma2 semaphore(%dma_wait3A_363 : memref<!tpu.dma_semaphore, #tpu.memory_space<semaphore_mem>>) src(%dma_wait3A_368 : memref<29x160xf32, #tpu.memory_space<hbm>>) dst(%dma_wait3A_365 : memref<29x160xf32, #tpu.memory_space<vmem>>)
      %mul3A_369 = arith.constant 4 : i32
      %mul3A_370 = arith.muli %rem3A_267, %mul3A_369 : i32
      %add3A_371 = arith.constant 2 : i32
      %add3A_372 = arith.addi %mul3A_370, %add3A_371 : i32
      %mul3A_373 = arith.constant 29 : i32
      %mul3A_374 = arith.muli %add3A_372, %mul3A_373 : i32
      %dma_wait3A_375 = arith.constant 0 : i32
      %dma_wait3A_376 = tpu.memref_slice %arg6[%mul3A_374, %dma_wait3A_375] : memref<232x160xf32, #tpu.memory_space<vmem>> -> memref<29x160xf32, #tpu.memory_space<vmem>>
      %dma_wait3A_377 = arith.constant 0 : i32
      %dma_wait3A_378 = tpu.memref_slice %arg2[%scan3A_249, %scan3A_250, %dma_wait3A_377] : memref<320x160x160xf32, #tpu.memory_space<hbm>> -> memref<1x29x160xf32, #tpu.memory_space<hbm>>
      %dma_wait3A_379 = tpu.memref_squeeze %dma_wait3A_378 : memref<1x29x160xf32, #tpu.memory_space<hbm>> -> memref<29x160xf32, #tpu.memory_space<hbm>>
      %dma_wait3A_380 = tpu.memref_slice %arg8[%rem3A_267] : memref<2x!tpu.dma_semaphore, #tpu.memory_space<semaphore_mem>> -> memref<1x!tpu.dma_semaphore, #tpu.memory_space<semaphore_mem>>
      %dma_wait3A_381 = tpu.memref_squeeze %dma_wait3A_380 : memref<1x!tpu.dma_semaphore, #tpu.memory_space<semaphore_mem>> -> memref<!tpu.dma_semaphore, #tpu.memory_space<semaphore_mem>>
      %dma_wait3A_382 = arith.constant 0 : i32
      %dma_wait3A_383 = tpu.memref_slice %arg6[%mul3A_374, %dma_wait3A_382] : memref<232x160xf32, #tpu.memory_space<vmem>> -> memref<29x160xf32, #tpu.memory_space<vmem>>
      %dma_wait3A_384 = arith.constant 0 : i32
      %dma_wait3A_385 = tpu.memref_slice %arg2[%scan3A_249, %scan3A_250, %dma_wait3A_384] : memref<320x160x160xf32, #tpu.memory_space<hbm>> -> memref<1x29x160xf32, #tpu.memory_space<hbm>>
      %dma_wait3A_386 = tpu.memref_squeeze %dma_wait3A_385 : memref<1x29x160xf32, #tpu.memory_space<hbm>> -> memref<29x160xf32, #tpu.memory_space<hbm>>
      tpu.wait_dma2 semaphore(%dma_wait3A_381 : memref<!tpu.dma_semaphore, #tpu.memory_space<semaphore_mem>>) src(%dma_wait3A_386 : memref<29x160xf32, #tpu.memory_space<hbm>>) dst(%dma_wait3A_383 : memref<29x160xf32, #tpu.memory_space<vmem>>)
      %mul3A_387 = arith.constant 4 : i32
      %mul3A_388 = arith.muli %rem3A_267, %mul3A_387 : i32
      %add3A_389 = arith.constant 3 : i32
      %add3A_390 = arith.addi %mul3A_388, %add3A_389 : i32
      %mul3A_391 = arith.constant 29 : i32
      %mul3A_392 = arith.muli %add3A_390, %mul3A_391 : i32
      %dma_wait3A_393 = arith.constant 0 : i32
      %dma_wait3A_394 = tpu.memref_slice %arg6[%mul3A_392, %dma_wait3A_393] : memref<232x160xf32, #tpu.memory_space<vmem>> -> memref<29x160xf32, #tpu.memory_space<vmem>>
      %dma_wait3A_395 = arith.constant 0 : i32
      %dma_wait3A_396 = tpu.memref_slice %arg2[%scan3A_255, %scan3A_256, %dma_wait3A_395] : memref<320x160x160xf32, #tpu.memory_space<hbm>> -> memref<1x29x160xf32, #tpu.memory_space<hbm>>
      %dma_wait3A_397 = tpu.memref_squeeze %dma_wait3A_396 : memref<1x29x160xf32, #tpu.memory_space<hbm>> -> memref<29x160xf32, #tpu.memory_space<hbm>>
      %dma_wait3A_398 = tpu.memref_slice %arg8[%rem3A_267] : memref<2x!tpu.dma_semaphore, #tpu.memory_space<semaphore_mem>> -> memref<1x!tpu.dma_semaphore, #tpu.memory_space<semaphore_mem>>
      %dma_wait3A_399 = tpu.memref_squeeze %dma_wait3A_398 : memref<1x!tpu.dma_semaphore, #tpu.memory_space<semaphore_mem>> -> memref<!tpu.dma_semaphore, #tpu.memory_space<semaphore_mem>>
      %dma_wait3A_400 = arith.constant 0 : i32
      %dma_wait3A_401 = tpu.memref_slice %arg6[%mul3A_392, %dma_wait3A_400] : memref<232x160xf32, #tpu.memory_space<vmem>> -> memref<29x160xf32, #tpu.memory_space<vmem>>
      %dma_wait3A_402 = arith.constant 0 : i32
      %dma_wait3A_403 = tpu.memref_slice %arg2[%scan3A_255, %scan3A_256, %dma_wait3A_402] : memref<320x160x160xf32, #tpu.memory_space<hbm>> -> memref<1x29x160xf32, #tpu.memory_space<hbm>>
      %dma_wait3A_404 = tpu.memref_squeeze %dma_wait3A_403 : memref<1x29x160xf32, #tpu.memory_space<hbm>> -> memref<29x160xf32, #tpu.memory_space<hbm>>
      tpu.wait_dma2 semaphore(%dma_wait3A_399 : memref<!tpu.dma_semaphore, #tpu.memory_space<semaphore_mem>>) src(%dma_wait3A_404 : memref<29x160xf32, #tpu.memory_space<hbm>>) dst(%dma_wait3A_401 : memref<29x160xf32, #tpu.memory_space<vmem>>)
      %ge3A = arith.constant 2 : i32
      %ge3A_405 = arith.cmpi sge, %scan3A_233, %ge3A : i32
      %convert_element_type3A_406 = arith.extui %ge3A_405 : i1 to i32
      %cond3A_407 = arith.constant 0 : i32
      %cond3A_408 = arith.cmpi ne, %convert_element_type3A_406, %cond3A_407 : i32
      scf.if %cond3A_408 {
        %eq3A_557 = arith.constant 29 : i32
        %eq3A_558 = arith.cmpi eq, %scan3A_266, %eq3A_557 : i32
        %convert_element_type3A_559 = arith.extui %eq3A_558 : i1 to i32
        %cond3A_560 = arith.constant 0 : i32
        %cond3A_561 = arith.cmpi ne, %convert_element_type3A_559, %cond3A_560 : i32
        scf.if %cond3A_561 {
          %dma_wait3A_567 = arith.constant 0 : i32
          %dma_wait3A_568 = arith.constant 0 : i32
          %dma_wait3A_569 = tpu.memref_slice %arg7[%rem3A_267, %dma_wait3A_567, %dma_wait3A_568] : memref<2x29x160xf32, #tpu.memory_space<vmem>> -> memref<1x29x160xf32, #tpu.memory_space<vmem>>
          %dma_wait3A_570 = tpu.memref_squeeze %dma_wait3A_569 : memref<1x29x160xf32, #tpu.memory_space<vmem>> -> memref<29x160xf32, #tpu.memory_space<vmem>>
          %dma_wait3A_571 = arith.constant 0 : i32
          %dma_wait3A_572 = tpu.memref_slice %arg4[%scan3A_264, %scan3A_265, %dma_wait3A_571] : memref<320x160x160xf32, #tpu.memory_space<hbm>> -> memref<1x29x160xf32, #tpu.memory_space<hbm>>
          %dma_wait3A_573 = tpu.memref_squeeze %dma_wait3A_572 : memref<1x29x160xf32, #tpu.memory_space<hbm>> -> memref<29x160xf32, #tpu.memory_space<hbm>>
          %dma_wait3A_574 = tpu.memref_slice %arg9[%rem3A_267] : memref<2x!tpu.dma_semaphore, #tpu.memory_space<semaphore_mem>> -> memref<1x!tpu.dma_semaphore, #tpu.memory_space<semaphore_mem>>
          %dma_wait3A_575 = tpu.memref_squeeze %dma_wait3A_574 : memref<1x!tpu.dma_semaphore, #tpu.memory_space<semaphore_mem>> -> memref<!tpu.dma_semaphore, #tpu.memory_space<semaphore_mem>>
          %dma_wait3A_576 = arith.constant 0 : i32
          %dma_wait3A_577 = tpu.memref_slice %arg4[%scan3A_264, %scan3A_265, %dma_wait3A_576] : memref<320x160x160xf32, #tpu.memory_space<hbm>> -> memref<1x29x160xf32, #tpu.memory_space<hbm>>
          %dma_wait3A_578 = tpu.memref_squeeze %dma_wait3A_577 : memref<1x29x160xf32, #tpu.memory_space<hbm>> -> memref<29x160xf32, #tpu.memory_space<hbm>>
          %dma_wait3A_579 = arith.constant 0 : i32
          %dma_wait3A_580 = arith.constant 0 : i32
          %dma_wait3A_581 = tpu.memref_slice %arg7[%rem3A_267, %dma_wait3A_579, %dma_wait3A_580] : memref<2x29x160xf32, #tpu.memory_space<vmem>> -> memref<1x29x160xf32, #tpu.memory_space<vmem>>
          %dma_wait3A_582 = tpu.memref_squeeze %dma_wait3A_581 : memref<1x29x160xf32, #tpu.memory_space<vmem>> -> memref<29x160xf32, #tpu.memory_space<vmem>>
          tpu.wait_dma2 semaphore(%dma_wait3A_575 : memref<!tpu.dma_semaphore, #tpu.memory_space<semaphore_mem>>) src(%dma_wait3A_582 : memref<29x160xf32, #tpu.memory_space<vmem>>) dst(%dma_wait3A_578 : memref<29x160xf32, #tpu.memory_space<hbm>>)
        } else {
        }
        %eq3A_562 = arith.constant 15 : i32
        %eq3A_563 = arith.cmpi eq, %scan3A_266, %eq3A_562 : i32
        %convert_element_type3A_564 = arith.extui %eq3A_563 : i1 to i32
        %cond3A_565 = arith.constant 0 : i32
        %cond3A_566 = arith.cmpi ne, %convert_element_type3A_564, %cond3A_565 : i32
        scf.if %cond3A_566 {
          %dma_wait3A_567 = arith.constant 0 : i32
          %dma_wait3A_568 = arith.constant 0 : i32
          %dma_wait3A_569 = tpu.memref_slice %arg7[%rem3A_267, %dma_wait3A_567, %dma_wait3A_568] : memref<2x29x160xf32, #tpu.memory_space<vmem>> -> memref<1x15x160xf32, #tpu.memory_space<vmem>>
          %dma_wait3A_570 = tpu.memref_squeeze %dma_wait3A_569 : memref<1x15x160xf32, #tpu.memory_space<vmem>> -> memref<15x160xf32, #tpu.memory_space<vmem>>
          %dma_wait3A_571 = arith.constant 0 : i32
          %dma_wait3A_572 = tpu.memref_slice %arg4[%scan3A_264, %scan3A_265, %dma_wait3A_571] : memref<320x160x160xf32, #tpu.memory_space<hbm>> -> memref<1x15x160xf32, #tpu.memory_space<hbm>>
          %dma_wait3A_573 = tpu.memref_squeeze %dma_wait3A_572 : memref<1x15x160xf32, #tpu.memory_space<hbm>> -> memref<15x160xf32, #tpu.memory_space<hbm>>
          %dma_wait3A_574 = tpu.memref_slice %arg9[%rem3A_267] : memref<2x!tpu.dma_semaphore, #tpu.memory_space<semaphore_mem>> -> memref<1x!tpu.dma_semaphore, #tpu.memory_space<semaphore_mem>>
          %dma_wait3A_575 = tpu.memref_squeeze %dma_wait3A_574 : memref<1x!tpu.dma_semaphore, #tpu.memory_space<semaphore_mem>> -> memref<!tpu.dma_semaphore, #tpu.memory_space<semaphore_mem>>
          %dma_wait3A_576 = arith.constant 0 : i32
          %dma_wait3A_577 = tpu.memref_slice %arg4[%scan3A_264, %scan3A_265, %dma_wait3A_576] : memref<320x160x160xf32, #tpu.memory_space<hbm>> -> memref<1x15x160xf32, #tpu.memory_space<hbm>>
          %dma_wait3A_578 = tpu.memref_squeeze %dma_wait3A_577 : memref<1x15x160xf32, #tpu.memory_space<hbm>> -> memref<15x160xf32, #tpu.memory_space<hbm>>
          %dma_wait3A_579 = arith.constant 0 : i32
          %dma_wait3A_580 = arith.constant 0 : i32
          %dma_wait3A_581 = tpu.memref_slice %arg7[%rem3A_267, %dma_wait3A_579, %dma_wait3A_580] : memref<2x29x160xf32, #tpu.memory_space<vmem>> -> memref<1x15x160xf32, #tpu.memory_space<vmem>>
          %dma_wait3A_582 = tpu.memref_squeeze %dma_wait3A_581 : memref<1x15x160xf32, #tpu.memory_space<vmem>> -> memref<15x160xf32, #tpu.memory_space<vmem>>
          tpu.wait_dma2 semaphore(%dma_wait3A_575 : memref<!tpu.dma_semaphore, #tpu.memory_space<semaphore_mem>>) src(%dma_wait3A_582 : memref<15x160xf32, #tpu.memory_space<vmem>>) dst(%dma_wait3A_578 : memref<15x160xf32, #tpu.memory_space<hbm>>)
        } else {
        }
      } else {
      }
      %and3A = arith.constant 2 : i32
      %and3A_409 = arith.andi %scan3A_242, %and3A : i32
      %ne3A = arith.constant 0 : i32
      %ne3A_410 = arith.cmpi ne, %and3A_409, %ne3A : i32
      %jit3A_411 = arith.constant 1.000000e+00 : f32
      %jit3A_412 = arith.constant 0.000000e+00 : f32
      %select_n3A = arith.select %ne3A_410, %jit3A_411, %jit3A_412 : f32
      %mul3A_413 = vector.broadcast %select_n3A : f32 to vector<16xf32>
      %mul3A_414 = arith.mulf %mul3A_413, %min3A_56 : vector<16xf32>
      %sub3A_415 = arith.subf %min3A_21, %mul3A_414 : vector<16xf32>
      %and3A_416 = arith.constant 2 : i32
      %and3A_417 = arith.andi %scan3A_248, %and3A_416 : i32
      %ne3A_418 = arith.constant 0 : i32
      %ne3A_419 = arith.cmpi ne, %and3A_417, %ne3A_418 : i32
      %jit3A_420 = arith.constant 1.000000e+00 : f32
      %jit3A_421 = arith.constant 0.000000e+00 : f32
      %select_n3A_422 = arith.select %ne3A_419, %jit3A_420, %jit3A_421 : f32
      %mul3A_423 = vector.broadcast %select_n3A_422 : f32 to vector<16xf32>
      %mul3A_424 = arith.mulf %mul3A_423, %min3A_65 : vector<16xf32>
      %sub3A_425 = arith.subf %min3A_21, %mul3A_424 : vector<16xf32>
      %and3A_426 = arith.constant 2 : i32
      %and3A_427 = arith.andi %scan3A_248, %and3A_426 : i32
      %ne3A_428 = arith.constant 0 : i32
      %ne3A_429 = arith.cmpi ne, %and3A_427, %ne3A_428 : i32
      %jit3A_430 = arith.constant 1.000000e+00 : f32
      %jit3A_431 = arith.constant 0.000000e+00 : f32
      %select_n3A_432 = arith.select %ne3A_429, %jit3A_430, %jit3A_431 : f32
      %mul3A_433 = vector.broadcast %select_n3A_432 : f32 to vector<16xf32>
      %mul3A_434 = arith.mulf %mul3A_433, %min3A_74 : vector<16xf32>
      %sub3A_435 = arith.subf %min3A_21, %mul3A_434 : vector<16xf32>
      %and3A_436 = arith.constant 2 : i32
      %and3A_437 = arith.andi %scan3A_254, %and3A_436 : i32
      %ne3A_438 = arith.constant 0 : i32
      %ne3A_439 = arith.cmpi ne, %and3A_437, %ne3A_438 : i32
      %jit3A_440 = arith.constant 1.000000e+00 : f32
      %jit3A_441 = arith.constant 0.000000e+00 : f32
      %select_n3A_442 = arith.select %ne3A_439, %jit3A_440, %jit3A_441 : f32
      %mul3A_443 = vector.broadcast %select_n3A_442 : f32 to vector<16xf32>
      %mul3A_444 = arith.mulf %mul3A_443, %min3A_83 : vector<16xf32>
      %sub3A_445 = arith.subf %min3A_21, %mul3A_444 : vector<16xf32>
      %mul3A_446 = arith.constant 4 : i32
      %mul3A_447 = arith.muli %rem3A_267, %mul3A_446 : i32
      %add3A_448 = arith.constant 0 : i32
      %add3A_449 = arith.addi %mul3A_447, %add3A_448 : i32
      %mul3A_450 = arith.constant 29 : i32
      %mul3A_451 = arith.muli %add3A_449, %mul3A_450 : i32
      %add3A_452 = arith.addi %mul3A_451, %scan3A_239 : i32
      %add3A_453 = vector.broadcast %add3A_452 : i32 to vector<16xi32>
      %add3A_454 = arith.addi %mul3A_3, %add3A_453 : vector<16xi32>
      %mul3A_455 = arith.constant 4 : i32
      %mul3A_456 = arith.muli %rem3A_267, %mul3A_455 : i32
      %add3A_457 = arith.constant 1 : i32
      %add3A_458 = arith.addi %mul3A_456, %add3A_457 : i32
      %mul3A_459 = arith.constant 29 : i32
      %mul3A_460 = arith.muli %add3A_458, %mul3A_459 : i32
      %add3A_461 = arith.addi %mul3A_460, %scan3A_245 : i32
      %add3A_462 = vector.broadcast %add3A_461 : i32 to vector<16xi32>
      %add3A_463 = arith.addi %mul3A_3, %add3A_462 : vector<16xi32>
      %mul3A_464 = arith.constant 4 : i32
      %mul3A_465 = arith.muli %rem3A_267, %mul3A_464 : i32
      %add3A_466 = arith.constant 2 : i32
      %add3A_467 = arith.addi %mul3A_465, %add3A_466 : i32
      %mul3A_468 = arith.constant 29 : i32
      %mul3A_469 = arith.muli %add3A_467, %mul3A_468 : i32
      %add3A_470 = arith.addi %mul3A_469, %scan3A_251 : i32
      %add3A_471 = vector.broadcast %add3A_470 : i32 to vector<16xi32>
      %add3A_472 = arith.addi %mul3A_3, %add3A_471 : vector<16xi32>
      %mul3A_473 = arith.constant 4 : i32
      %mul3A_474 = arith.muli %rem3A_267, %mul3A_473 : i32
      %add3A_475 = arith.constant 3 : i32
      %add3A_476 = arith.addi %mul3A_474, %add3A_475 : i32
      %mul3A_477 = arith.constant 29 : i32
      %mul3A_478 = arith.muli %add3A_476, %mul3A_477 : i32
      %add3A_479 = arith.addi %mul3A_478, %scan3A_257 : i32
      %add3A_480 = vector.broadcast %add3A_479 : i32 to vector<16xi32>
      %add3A_481 = arith.addi %mul3A_3, %add3A_480 : vector<16xi32>
      %add3A_482 = arith.constant 0 : i32
      %add3A_483 = arith.addi %scan3A_240, %add3A_482 : i32
      %add3A_484 = vector.broadcast %add3A_483 : i32 to vector<16xi32>
      %add3A_485 = arith.addi %iota3A, %add3A_484 : vector<16xi32>
      %add3A_486 = arith.constant 16 : i32
      %add3A_487 = arith.addi %scan3A_240, %add3A_486 : i32
      %add3A_488 = vector.broadcast %add3A_487 : i32 to vector<16xi32>
      %add3A_489 = arith.addi %iota3A, %add3A_488 : vector<16xi32>
      %add3A_490 = arith.constant 32 : i32
      %add3A_491 = arith.addi %scan3A_240, %add3A_490 : i32
      %add3A_492 = vector.broadcast %add3A_491 : i32 to vector<16xi32>
      %add3A_493 = arith.addi %iota3A, %add3A_492 : vector<16xi32>
      %add3A_494 = arith.constant -10 : i32
      %add3A_495 = arith.addi %scan3A_246, %add3A_494 : i32
      %add3A_496 = vector.broadcast %add3A_495 : i32 to vector<16xi32>
      %add3A_497 = arith.addi %iota3A, %add3A_496 : vector<16xi32>
      %add3A_498 = arith.constant 6 : i32
      %add3A_499 = arith.addi %scan3A_246, %add3A_498 : i32
      %add3A_500 = vector.broadcast %add3A_499 : i32 to vector<16xi32>
      %add3A_501 = arith.addi %iota3A, %add3A_500 : vector<16xi32>
      %add3A_502 = arith.constant 22 : i32
      %add3A_503 = arith.addi %scan3A_246, %add3A_502 : i32
      %add3A_504 = vector.broadcast %add3A_503 : i32 to vector<16xi32>
      %add3A_505 = arith.addi %iota3A, %add3A_504 : vector<16xi32>
      %add3A_506 = arith.constant 38 : i32
      %add3A_507 = arith.addi %scan3A_246, %add3A_506 : i32
      %add3A_508 = vector.broadcast %add3A_507 : i32 to vector<16xi32>
      %add3A_509 = arith.addi %iota3A, %add3A_508 : vector<16xi32>
      %add3A_510 = arith.constant -4 : i32
      %add3A_511 = arith.addi %scan3A_252, %add3A_510 : i32
      %add3A_512 = vector.broadcast %add3A_511 : i32 to vector<16xi32>
      %add3A_513 = arith.addi %iota3A, %add3A_512 : vector<16xi32>
      %add3A_514 = arith.constant 12 : i32
      %add3A_515 = arith.addi %scan3A_252, %add3A_514 : i32
      %add3A_516 = vector.broadcast %add3A_515 : i32 to vector<16xi32>
      %add3A_517 = arith.addi %iota3A, %add3A_516 : vector<16xi32>
      %add3A_518 = arith.constant 28 : i32
      %add3A_519 = arith.addi %scan3A_252, %add3A_518 : i32
      %add3A_520 = vector.broadcast %add3A_519 : i32 to vector<16xi32>
      %add3A_521 = arith.addi %iota3A, %add3A_520 : vector<16xi32>
      %add3A_522 = arith.constant -14 : i32
      %add3A_523 = arith.addi %scan3A_258, %add3A_522 : i32
      %add3A_524 = vector.broadcast %add3A_523 : i32 to vector<16xi32>
      %add3A_525 = arith.addi %iota3A, %add3A_524 : vector<16xi32>
      %add3A_526 = arith.constant 2 : i32
      %add3A_527 = arith.addi %scan3A_258, %add3A_526 : i32
      %add3A_528 = vector.broadcast %add3A_527 : i32 to vector<16xi32>
      %add3A_529 = arith.addi %iota3A, %add3A_528 : vector<16xi32>
      %add3A_530 = arith.constant 18 : i32
      %add3A_531 = arith.addi %scan3A_258, %add3A_530 : i32
      %add3A_532 = vector.broadcast %add3A_531 : i32 to vector<16xi32>
      %add3A_533 = arith.addi %iota3A, %add3A_532 : vector<16xi32>
      %add3A_534 = vector.broadcast %scan3A_241 : i32 to vector<16xi32>
      %add3A_535 = arith.addi %mul3A_3, %add3A_534 : vector<16xi32>
      %convert_element_type3A_536 = arith.sitofp %add3A_535 : vector<16xi32> to vector<16xf32>
      %add3A_537 = vector.broadcast %scan3A_247 : i32 to vector<16xi32>
      %add3A_538 = arith.addi %mul3A_3, %add3A_537 : vector<16xi32>
      %convert_element_type3A_539 = arith.sitofp %add3A_538 : vector<16xi32> to vector<16xf32>
      %add3A_540 = vector.broadcast %scan3A_253 : i32 to vector<16xi32>
      %add3A_541 = arith.addi %mul3A_3, %add3A_540 : vector<16xi32>
      %convert_element_type3A_542 = arith.sitofp %add3A_541 : vector<16xi32> to vector<16xf32>
      %add3A_543 = vector.broadcast %scan3A_259 : i32 to vector<16xi32>
      %add3A_544 = arith.addi %mul3A_3, %add3A_543 : vector<16xi32>
      %convert_element_type3A_545 = arith.sitofp %add3A_544 : vector<16xi32> to vector<16xf32>
      %parallel_loop3A = arith.constant 0 : i32
      %parallel_loop3A_546 = arith.constant 1 : i32
      scf.for %parallel_loop3A_557 = %parallel_loop3A to %scan3A_236 step %parallel_loop3A_546  : i32 {
        %parallel_loop3A_558 = vector.broadcast %parallel_loop3A_557 : i32 to vector<16xi32>
        %parallel_loop3A_559 = arith.addi %mul3A_3, %parallel_loop3A_558 : vector<16xi32>
        %parallel_loop3A_560 = arith.sitofp %parallel_loop3A_559 : vector<16xi32> to vector<16xf32>
        %parallel_loop3A_561 = arith.subf %convert_element_type3A_536, %parallel_loop3A_560 : vector<16xf32>
        %parallel_loop3A_562 = arith.constant 0.000000e+00 : f32
        %parallel_loop3A_563 = arith.constant 1.000000e+00 : f32
        %parallel_loop3A_564 = vector.broadcast %parallel_loop3A_562 : f32 to vector<16xf32>
        %parallel_loop3A_565 = arith.maximumf %parallel_loop3A_564, %parallel_loop3A_561 : vector<16xf32>
        %parallel_loop3A_566 = vector.broadcast %parallel_loop3A_563 : f32 to vector<16xf32>
        %parallel_loop3A_567 = arith.minimumf %parallel_loop3A_566, %parallel_loop3A_565 : vector<16xf32>
        %parallel_loop3A_568 = arith.subf %convert_element_type3A_539, %parallel_loop3A_560 : vector<16xf32>
        %parallel_loop3A_569 = arith.constant 0.000000e+00 : f32
        %parallel_loop3A_570 = arith.constant 1.000000e+00 : f32
        %parallel_loop3A_571 = vector.broadcast %parallel_loop3A_569 : f32 to vector<16xf32>
        %parallel_loop3A_572 = arith.maximumf %parallel_loop3A_571, %parallel_loop3A_568 : vector<16xf32>
        %parallel_loop3A_573 = vector.broadcast %parallel_loop3A_570 : f32 to vector<16xf32>
        %parallel_loop3A_574 = arith.minimumf %parallel_loop3A_573, %parallel_loop3A_572 : vector<16xf32>
        %parallel_loop3A_575 = arith.subf %convert_element_type3A_542, %parallel_loop3A_560 : vector<16xf32>
        %parallel_loop3A_576 = arith.constant 0.000000e+00 : f32
        %parallel_loop3A_577 = arith.constant 1.000000e+00 : f32
        %parallel_loop3A_578 = vector.broadcast %parallel_loop3A_576 : f32 to vector<16xf32>
        %parallel_loop3A_579 = arith.maximumf %parallel_loop3A_578, %parallel_loop3A_575 : vector<16xf32>
        %parallel_loop3A_580 = vector.broadcast %parallel_loop3A_577 : f32 to vector<16xf32>
        %parallel_loop3A_581 = arith.minimumf %parallel_loop3A_580, %parallel_loop3A_579 : vector<16xf32>
        %parallel_loop3A_582 = arith.subf %convert_element_type3A_545, %parallel_loop3A_560 : vector<16xf32>
        %parallel_loop3A_583 = arith.constant 0.000000e+00 : f32
        %parallel_loop3A_584 = arith.constant 1.000000e+00 : f32
        %parallel_loop3A_585 = vector.broadcast %parallel_loop3A_583 : f32 to vector<16xf32>
        %parallel_loop3A_586 = arith.maximumf %parallel_loop3A_585, %parallel_loop3A_582 : vector<16xf32>
        %parallel_loop3A_587 = vector.broadcast %parallel_loop3A_584 : f32 to vector<16xf32>
        %parallel_loop3A_588 = arith.minimumf %parallel_loop3A_587, %parallel_loop3A_586 : vector<16xf32>
        %parallel_loop3A_589 = arith.addi %add3A_454, %parallel_loop3A_559 : vector<16xi32>
        %parallel_loop3A_590 = arith.addi %add3A_463, %parallel_loop3A_559 : vector<16xi32>
        %parallel_loop3A_591 = arith.addi %add3A_472, %parallel_loop3A_559 : vector<16xi32>
        %parallel_loop3A_592 = arith.addi %add3A_481, %parallel_loop3A_559 : vector<16xi32>
        %parallel_loop3A_593 = tpu.vector_load_idx %arg6[%parallel_loop3A_589, %add3A_485] : memref<232x160xf32, #tpu.memory_space<vmem>>[vector<16xi32>, vector<16xi32>], vector<16xf32>,
        %parallel_loop3A_594 = arith.mulf %parallel_loop3A_593, %parallel_loop3A_567 : vector<16xf32>
        %parallel_loop3A_595 = arith.index_cast %rem3A_267 : i32 to index
        %parallel_loop3A_596 = arith.index_cast %parallel_loop3A_557 : i32 to index
        %parallel_loop3A_597 = arith.constant 0 : index
        %parallel_loop3A_598 = tpu.vector_load %arg7[%parallel_loop3A_595, %parallel_loop3A_596, %parallel_loop3A_597] {strides = array<i32>} : memref<2x29x160xf32, #tpu.memory_space<vmem>>, vector<16xf32>,
        tpu.vector_store %arg7[%parallel_loop3A_595, %parallel_loop3A_596, %parallel_loop3A_597], %parallel_loop3A_594 {strides = array<i32>} : memref<2x29x160xf32, #tpu.memory_space<vmem>>, vector<16xf32>,
        %parallel_loop3A_599 = tpu.vector_load_idx %arg6[%parallel_loop3A_589, %add3A_489] : memref<232x160xf32, #tpu.memory_space<vmem>>[vector<16xi32>, vector<16xi32>], vector<16xf32>,
        %parallel_loop3A_600 = arith.mulf %parallel_loop3A_599, %parallel_loop3A_567 : vector<16xf32>
        %parallel_loop3A_601 = arith.index_cast %rem3A_267 : i32 to index
        %parallel_loop3A_602 = arith.index_cast %parallel_loop3A_557 : i32 to index
        %parallel_loop3A_603 = arith.constant 16 : index
        %parallel_loop3A_604 = tpu.vector_load %arg7[%parallel_loop3A_601, %parallel_loop3A_602, %parallel_loop3A_603] {strides = array<i32>} : memref<2x29x160xf32, #tpu.memory_space<vmem>>, vector<16xf32>,
        tpu.vector_store %arg7[%parallel_loop3A_601, %parallel_loop3A_602, %parallel_loop3A_603], %parallel_loop3A_600 {strides = array<i32>} : memref<2x29x160xf32, #tpu.memory_space<vmem>>, vector<16xf32>,
        %parallel_loop3A_605 = tpu.vector_load_idx %arg6[%parallel_loop3A_589, %add3A_493] : memref<232x160xf32, #tpu.memory_space<vmem>>[vector<16xi32>, vector<16xi32>], vector<16xf32>,
        %parallel_loop3A_606 = arith.mulf %parallel_loop3A_605, %parallel_loop3A_567 : vector<16xf32>
        %parallel_loop3A_607 = arith.mulf %parallel_loop3A_606, %sub3A_415 : vector<16xf32>
        %parallel_loop3A_608 = tpu.vector_load_idx %arg6[%parallel_loop3A_590, %add3A_497] : memref<232x160xf32, #tpu.memory_space<vmem>>[vector<16xi32>, vector<16xi32>], vector<16xf32>,
        %parallel_loop3A_609 = arith.mulf %parallel_loop3A_608, %parallel_loop3A_574 : vector<16xf32>
        %parallel_loop3A_610 = arith.subf %parallel_loop3A_607, %parallel_loop3A_609 : vector<16xf32>
        %parallel_loop3A_611 = arith.mulf %parallel_loop3A_610, %min3A_29 : vector<16xf32>
        %parallel_loop3A_612 = arith.addf %parallel_loop3A_609, %parallel_loop3A_611 : vector<16xf32>
        %parallel_loop3A_613 = arith.index_cast %rem3A_267 : i32 to index
        %parallel_loop3A_614 = arith.index_cast %parallel_loop3A_557 : i32 to index
        %parallel_loop3A_615 = arith.constant 32 : index
        %parallel_loop3A_616 = tpu.vector_load %arg7[%parallel_loop3A_613, %parallel_loop3A_614, %parallel_loop3A_615] {strides = array<i32>} : memref<2x29x160xf32, #tpu.memory_space<vmem>>, vector<16xf32>,
        tpu.vector_store %arg7[%parallel_loop3A_613, %parallel_loop3A_614, %parallel_loop3A_615], %parallel_loop3A_612 {strides = array<i32>} : memref<2x29x160xf32, #tpu.memory_space<vmem>>, vector<16xf32>,
        %parallel_loop3A_617 = tpu.vector_load_idx %arg6[%parallel_loop3A_590, %add3A_501] : memref<232x160xf32, #tpu.memory_space<vmem>>[vector<16xi32>, vector<16xi32>], vector<16xf32>,
        %parallel_loop3A_618 = arith.mulf %parallel_loop3A_617, %parallel_loop3A_574 : vector<16xf32>
        %parallel_loop3A_619 = arith.index_cast %rem3A_267 : i32 to index
        %parallel_loop3A_620 = arith.index_cast %parallel_loop3A_557 : i32 to index
        %parallel_loop3A_621 = arith.constant 48 : index
        %parallel_loop3A_622 = tpu.vector_load %arg7[%parallel_loop3A_619, %parallel_loop3A_620, %parallel_loop3A_621] {strides = array<i32>} : memref<2x29x160xf32, #tpu.memory_space<vmem>>, vector<16xf32>,
        tpu.vector_store %arg7[%parallel_loop3A_619, %parallel_loop3A_620, %parallel_loop3A_621], %parallel_loop3A_618 {strides = array<i32>} : memref<2x29x160xf32, #tpu.memory_space<vmem>>, vector<16xf32>,
        %parallel_loop3A_623 = tpu.vector_load_idx %arg6[%parallel_loop3A_590, %add3A_505] : memref<232x160xf32, #tpu.memory_space<vmem>>[vector<16xi32>, vector<16xi32>], vector<16xf32>,
        %parallel_loop3A_624 = arith.mulf %parallel_loop3A_623, %parallel_loop3A_574 : vector<16xf32>
        %parallel_loop3A_625 = arith.mulf %parallel_loop3A_624, %sub3A_425 : vector<16xf32>
        %parallel_loop3A_626 = arith.index_cast %rem3A_267 : i32 to index
        %parallel_loop3A_627 = arith.index_cast %parallel_loop3A_557 : i32 to index
        %parallel_loop3A_628 = arith.constant 64 : index
        %parallel_loop3A_629 = tpu.vector_load %arg7[%parallel_loop3A_626, %parallel_loop3A_627, %parallel_loop3A_628] {strides = array<i32>} : memref<2x29x160xf32, #tpu.memory_space<vmem>>, vector<16xf32>,
        tpu.vector_store %arg7[%parallel_loop3A_626, %parallel_loop3A_627, %parallel_loop3A_628], %parallel_loop3A_625 {strides = array<i32>} : memref<2x29x160xf32, #tpu.memory_space<vmem>>, vector<16xf32>,
        %parallel_loop3A_630 = tpu.vector_load_idx %arg6[%parallel_loop3A_590, %add3A_509] : memref<232x160xf32, #tpu.memory_space<vmem>>[vector<16xi32>, vector<16xi32>], vector<16xf32>,
        %parallel_loop3A_631 = arith.mulf %parallel_loop3A_630, %parallel_loop3A_574 : vector<16xf32>
        %parallel_loop3A_632 = arith.mulf %parallel_loop3A_631, %sub3A_435 : vector<16xf32>
        %parallel_loop3A_633 = tpu.vector_load_idx %arg6[%parallel_loop3A_591, %add3A_513] : memref<232x160xf32, #tpu.memory_space<vmem>>[vector<16xi32>, vector<16xi32>], vector<16xf32>,
        %parallel_loop3A_634 = arith.mulf %parallel_loop3A_633, %parallel_loop3A_581 : vector<16xf32>
        %parallel_loop3A_635 = arith.subf %parallel_loop3A_632, %parallel_loop3A_634 : vector<16xf32>
        %parallel_loop3A_636 = arith.mulf %parallel_loop3A_635, %min3A_38 : vector<16xf32>
        %parallel_loop3A_637 = arith.addf %parallel_loop3A_634, %parallel_loop3A_636 : vector<16xf32>
        %parallel_loop3A_638 = arith.index_cast %rem3A_267 : i32 to index
        %parallel_loop3A_639 = arith.index_cast %parallel_loop3A_557 : i32 to index
        %parallel_loop3A_640 = arith.constant 80 : index
        %parallel_loop3A_641 = tpu.vector_load %arg7[%parallel_loop3A_638, %parallel_loop3A_639, %parallel_loop3A_640] {strides = array<i32>} : memref<2x29x160xf32, #tpu.memory_space<vmem>>, vector<16xf32>,
        tpu.vector_store %arg7[%parallel_loop3A_638, %parallel_loop3A_639, %parallel_loop3A_640], %parallel_loop3A_637 {strides = array<i32>} : memref<2x29x160xf32, #tpu.memory_space<vmem>>, vector<16xf32>,
        %parallel_loop3A_642 = tpu.vector_load_idx %arg6[%parallel_loop3A_591, %add3A_517] : memref<232x160xf32, #tpu.memory_space<vmem>>[vector<16xi32>, vector<16xi32>], vector<16xf32>,
        %parallel_loop3A_643 = arith.mulf %parallel_loop3A_642, %parallel_loop3A_581 : vector<16xf32>
        %parallel_loop3A_644 = arith.index_cast %rem3A_267 : i32 to index
        %parallel_loop3A_645 = arith.index_cast %parallel_loop3A_557 : i32 to index
        %parallel_loop3A_646 = arith.constant 96 : index
        %parallel_loop3A_647 = tpu.vector_load %arg7[%parallel_loop3A_644, %parallel_loop3A_645, %parallel_loop3A_646] {strides = array<i32>} : memref<2x29x160xf32, #tpu.memory_space<vmem>>, vector<16xf32>,
        tpu.vector_store %arg7[%parallel_loop3A_644, %parallel_loop3A_645, %parallel_loop3A_646], %parallel_loop3A_643 {strides = array<i32>} : memref<2x29x160xf32, #tpu.memory_space<vmem>>, vector<16xf32>,
        %parallel_loop3A_648 = tpu.vector_load_idx %arg6[%parallel_loop3A_591, %add3A_521] : memref<232x160xf32, #tpu.memory_space<vmem>>[vector<16xi32>, vector<16xi32>], vector<16xf32>,
        %parallel_loop3A_649 = arith.mulf %parallel_loop3A_648, %parallel_loop3A_581 : vector<16xf32>
        %parallel_loop3A_650 = arith.mulf %parallel_loop3A_649, %sub3A_445 : vector<16xf32>
        %parallel_loop3A_651 = tpu.vector_load_idx %arg6[%parallel_loop3A_592, %add3A_525] : memref<232x160xf32, #tpu.memory_space<vmem>>[vector<16xi32>, vector<16xi32>], vector<16xf32>,
        %parallel_loop3A_652 = arith.mulf %parallel_loop3A_651, %parallel_loop3A_588 : vector<16xf32>
        %parallel_loop3A_653 = arith.subf %parallel_loop3A_650, %parallel_loop3A_652 : vector<16xf32>
        %parallel_loop3A_654 = arith.mulf %parallel_loop3A_653, %min3A_47 : vector<16xf32>
        %parallel_loop3A_655 = arith.addf %parallel_loop3A_652, %parallel_loop3A_654 : vector<16xf32>
        %parallel_loop3A_656 = arith.index_cast %rem3A_267 : i32 to index
        %parallel_loop3A_657 = arith.index_cast %parallel_loop3A_557 : i32 to index
        %parallel_loop3A_658 = arith.constant 112 : index
        %parallel_loop3A_659 = tpu.vector_load %arg7[%parallel_loop3A_656, %parallel_loop3A_657, %parallel_loop3A_658] {strides = array<i32>} : memref<2x29x160xf32, #tpu.memory_space<vmem>>, vector<16xf32>,
        tpu.vector_store %arg7[%parallel_loop3A_656, %parallel_loop3A_657, %parallel_loop3A_658], %parallel_loop3A_655 {strides = array<i32>} : memref<2x29x160xf32, #tpu.memory_space<vmem>>, vector<16xf32>,
        %parallel_loop3A_660 = tpu.vector_load_idx %arg6[%parallel_loop3A_592, %add3A_529] : memref<232x160xf32, #tpu.memory_space<vmem>>[vector<16xi32>, vector<16xi32>], vector<16xf32>,
        %parallel_loop3A_661 = arith.mulf %parallel_loop3A_660, %parallel_loop3A_588 : vector<16xf32>
        %parallel_loop3A_662 = arith.index_cast %rem3A_267 : i32 to index
        %parallel_loop3A_663 = arith.index_cast %parallel_loop3A_557 : i32 to index
        %parallel_loop3A_664 = arith.constant 128 : index
        %parallel_loop3A_665 = tpu.vector_load %arg7[%parallel_loop3A_662, %parallel_loop3A_663, %parallel_loop3A_664] {strides = array<i32>} : memref<2x29x160xf32, #tpu.memory_space<vmem>>, vector<16xf32>,
        tpu.vector_store %arg7[%parallel_loop3A_662, %parallel_loop3A_663, %parallel_loop3A_664], %parallel_loop3A_661 {strides = array<i32>} : memref<2x29x160xf32, #tpu.memory_space<vmem>>, vector<16xf32>,
        %parallel_loop3A_666 = tpu.vector_load_idx %arg6[%parallel_loop3A_592, %add3A_533] : memref<232x160xf32, #tpu.memory_space<vmem>>[vector<16xi32>, vector<16xi32>], vector<16xf32>,
        %parallel_loop3A_667 = arith.mulf %parallel_loop3A_666, %parallel_loop3A_588 : vector<16xf32>
        %parallel_loop3A_668 = arith.index_cast %rem3A_267 : i32 to index
        %parallel_loop3A_669 = arith.index_cast %parallel_loop3A_557 : i32 to index
        %parallel_loop3A_670 = arith.constant 144 : index
        %parallel_loop3A_671 = tpu.vector_load %arg7[%parallel_loop3A_668, %parallel_loop3A_669, %parallel_loop3A_670] {strides = array<i32>} : memref<2x29x160xf32, #tpu.memory_space<vmem>>, vector<16xf32>,
        tpu.vector_store %arg7[%parallel_loop3A_668, %parallel_loop3A_669, %parallel_loop3A_670], %parallel_loop3A_667 {strides = array<i32>} : memref<2x29x160xf32, #tpu.memory_space<vmem>>, vector<16xf32>,
      } {sc.loop_unroll_factor = 2 : i64, sc.parallel_access}
      %eq3A_547 = arith.constant 29 : i32
      %eq3A_548 = arith.cmpi eq, %scan3A_236, %eq3A_547 : i32
      %convert_element_type3A_549 = arith.extui %eq3A_548 : i1 to i32
      %cond3A_550 = arith.constant 0 : i32
      %cond3A_551 = arith.cmpi ne, %convert_element_type3A_549, %cond3A_550 : i32
      scf.if %cond3A_551 {
        %dma_start3A_557 = arith.constant 0 : i32
        %dma_start3A_558 = arith.constant 0 : i32
        %dma_start3A_559 = tpu.memref_slice %arg7[%rem3A_267, %dma_start3A_557, %dma_start3A_558] : memref<2x29x160xf32, #tpu.memory_space<vmem>> -> memref<1x29x160xf32, #tpu.memory_space<vmem>>
        %dma_start3A_560 = tpu.memref_squeeze %dma_start3A_559 : memref<1x29x160xf32, #tpu.memory_space<vmem>> -> memref<29x160xf32, #tpu.memory_space<vmem>>
        %dma_start3A_561 = arith.constant 0 : i32
        %dma_start3A_562 = tpu.memref_slice %arg4[%scan3A_234, %scan3A_235, %dma_start3A_561] : memref<320x160x160xf32, #tpu.memory_space<hbm>> -> memref<1x29x160xf32, #tpu.memory_space<hbm>>
        %dma_start3A_563 = tpu.memref_squeeze %dma_start3A_562 : memref<1x29x160xf32, #tpu.memory_space<hbm>> -> memref<29x160xf32, #tpu.memory_space<hbm>>
        %dma_start3A_564 = tpu.memref_slice %arg9[%rem3A_267] : memref<2x!tpu.dma_semaphore, #tpu.memory_space<semaphore_mem>> -> memref<1x!tpu.dma_semaphore, #tpu.memory_space<semaphore_mem>>
        %dma_start3A_565 = tpu.memref_squeeze %dma_start3A_564 : memref<1x!tpu.dma_semaphore, #tpu.memory_space<semaphore_mem>> -> memref<!tpu.dma_semaphore, #tpu.memory_space<semaphore_mem>>
        %dma_start3A_566 = arith.constant 0 : i32
        %dma_start3A_567 = tpu.memref_slice %arg4[%scan3A_234, %scan3A_235, %dma_start3A_566] : memref<320x160x160xf32, #tpu.memory_space<hbm>> -> memref<1x29x160xf32, #tpu.memory_space<hbm>>
        %dma_start3A_568 = tpu.memref_squeeze %dma_start3A_567 : memref<1x29x160xf32, #tpu.memory_space<hbm>> -> memref<29x160xf32, #tpu.memory_space<hbm>>
        %dma_start3A_569 = arith.constant 0 : i32
        %dma_start3A_570 = arith.constant 0 : i32
        %dma_start3A_571 = tpu.memref_slice %arg7[%rem3A_267, %dma_start3A_569, %dma_start3A_570] : memref<2x29x160xf32, #tpu.memory_space<vmem>> -> memref<1x29x160xf32, #tpu.memory_space<vmem>>
        %dma_start3A_572 = tpu.memref_squeeze %dma_start3A_571 : memref<1x29x160xf32, #tpu.memory_space<vmem>> -> memref<29x160xf32, #tpu.memory_space<vmem>>
        tpu.enqueue_dma source(%dma_start3A_572 : memref<29x160xf32, #tpu.memory_space<vmem>>) target(%dma_start3A_568 : memref<29x160xf32, #tpu.memory_space<hbm>>) target_semaphore(%dma_start3A_565 : memref<!tpu.dma_semaphore, #tpu.memory_space<semaphore_mem>>)
      } else {
      }
      %eq3A_552 = arith.constant 15 : i32
      %eq3A_553 = arith.cmpi eq, %scan3A_236, %eq3A_552 : i32
      %convert_element_type3A_554 = arith.extui %eq3A_553 : i1 to i32
      %cond3A_555 = arith.constant 0 : i32
      %cond3A_556 = arith.cmpi ne, %convert_element_type3A_554, %cond3A_555 : i32
      scf.if %cond3A_556 {
        %dma_start3A_557 = arith.constant 0 : i32
        %dma_start3A_558 = arith.constant 0 : i32
        %dma_start3A_559 = tpu.memref_slice %arg7[%rem3A_267, %dma_start3A_557, %dma_start3A_558] : memref<2x29x160xf32, #tpu.memory_space<vmem>> -> memref<1x15x160xf32, #tpu.memory_space<vmem>>
        %dma_start3A_560 = tpu.memref_squeeze %dma_start3A_559 : memref<1x15x160xf32, #tpu.memory_space<vmem>> -> memref<15x160xf32, #tpu.memory_space<vmem>>
        %dma_start3A_561 = arith.constant 0 : i32
        %dma_start3A_562 = tpu.memref_slice %arg4[%scan3A_234, %scan3A_235, %dma_start3A_561] : memref<320x160x160xf32, #tpu.memory_space<hbm>> -> memref<1x15x160xf32, #tpu.memory_space<hbm>>
        %dma_start3A_563 = tpu.memref_squeeze %dma_start3A_562 : memref<1x15x160xf32, #tpu.memory_space<hbm>> -> memref<15x160xf32, #tpu.memory_space<hbm>>
        %dma_start3A_564 = tpu.memref_slice %arg9[%rem3A_267] : memref<2x!tpu.dma_semaphore, #tpu.memory_space<semaphore_mem>> -> memref<1x!tpu.dma_semaphore, #tpu.memory_space<semaphore_mem>>
        %dma_start3A_565 = tpu.memref_squeeze %dma_start3A_564 : memref<1x!tpu.dma_semaphore, #tpu.memory_space<semaphore_mem>> -> memref<!tpu.dma_semaphore, #tpu.memory_space<semaphore_mem>>
        %dma_start3A_566 = arith.constant 0 : i32
        %dma_start3A_567 = tpu.memref_slice %arg4[%scan3A_234, %scan3A_235, %dma_start3A_566] : memref<320x160x160xf32, #tpu.memory_space<hbm>> -> memref<1x15x160xf32, #tpu.memory_space<hbm>>
        %dma_start3A_568 = tpu.memref_squeeze %dma_start3A_567 : memref<1x15x160xf32, #tpu.memory_space<hbm>> -> memref<15x160xf32, #tpu.memory_space<hbm>>
        %dma_start3A_569 = arith.constant 0 : i32
        %dma_start3A_570 = arith.constant 0 : i32
        %dma_start3A_571 = tpu.memref_slice %arg7[%rem3A_267, %dma_start3A_569, %dma_start3A_570] : memref<2x29x160xf32, #tpu.memory_space<vmem>> -> memref<1x15x160xf32, #tpu.memory_space<vmem>>
        %dma_start3A_572 = tpu.memref_squeeze %dma_start3A_571 : memref<1x15x160xf32, #tpu.memory_space<vmem>> -> memref<15x160xf32, #tpu.memory_space<vmem>>
        tpu.enqueue_dma source(%dma_start3A_572 : memref<15x160xf32, #tpu.memory_space<vmem>>) target(%dma_start3A_568 : memref<15x160xf32, #tpu.memory_space<hbm>>) target_semaphore(%dma_start3A_565 : memref<!tpu.dma_semaphore, #tpu.memory_space<semaphore_mem>>)
      } else {
      }
      scf.yield %squeeze3A_277, %squeeze3A_279, %squeeze3A_281, %squeeze3A_283, %squeeze3A_285, %squeeze3A_287, %squeeze3A_289, %squeeze3A_291, %squeeze3A_293, %squeeze3A_295, %squeeze3A_297, %squeeze3A_299, %squeeze3A_301, %squeeze3A_303, %squeeze3A_305, %squeeze3A_307, %squeeze3A_309, %squeeze3A_311, %squeeze3A_313, %squeeze3A_315, %squeeze3A_317, %squeeze3A_319, %squeeze3A_321, %squeeze3A_323, %squeeze3A_325, %squeeze3A_327, %squeeze3A_329, %scan3A_234, %scan3A_235, %scan3A_236, %scan3A_261, %scan3A_262, %scan3A_263 : i32, i32, i32, i32, i32, i32, i32, i32, i32, i32, i32, i32, i32, i32, i32, i32, i32, i32, i32, i32, i32, i32, i32, i32, i32, i32, i32, i32, i32, i32, i32, i32, i32
    }
    %scan3A_214 = arith.constant 60 : i32
    %eq3A = arith.constant 29 : i32
    %eq3A_215 = arith.cmpi eq, %scan3A_213#32, %eq3A : i32
    %convert_element_type3A_216 = arith.extui %eq3A_215 : i1 to i32
    %cond3A = arith.constant 0 : i32
    %cond3A_217 = arith.cmpi ne, %convert_element_type3A_216, %cond3A : i32
    scf.if %cond3A_217 {
      %dma_wait3A = arith.constant 0 : i32
      %dma_wait3A_233 = arith.constant 0 : i32
      %dma_wait3A_234 = arith.constant 0 : i32
      %dma_wait3A_235 = arith.constant 0 : i32
      %dma_wait3A_236 = tpu.memref_slice %arg7[%dma_wait3A, %dma_wait3A_234, %dma_wait3A_235] : memref<2x29x160xf32, #tpu.memory_space<vmem>> -> memref<1x29x160xf32, #tpu.memory_space<vmem>>
      %dma_wait3A_237 = tpu.memref_squeeze %dma_wait3A_236 : memref<1x29x160xf32, #tpu.memory_space<vmem>> -> memref<29x160xf32, #tpu.memory_space<vmem>>
      %dma_wait3A_238 = arith.constant 0 : i32
      %dma_wait3A_239 = tpu.memref_slice %arg4[%scan3A_213#30, %scan3A_213#31, %dma_wait3A_238] : memref<320x160x160xf32, #tpu.memory_space<hbm>> -> memref<1x29x160xf32, #tpu.memory_space<hbm>>
      %dma_wait3A_240 = tpu.memref_squeeze %dma_wait3A_239 : memref<1x29x160xf32, #tpu.memory_space<hbm>> -> memref<29x160xf32, #tpu.memory_space<hbm>>
      %dma_wait3A_241 = tpu.memref_slice %arg9[%dma_wait3A_233] : memref<2x!tpu.dma_semaphore, #tpu.memory_space<semaphore_mem>> -> memref<1x!tpu.dma_semaphore, #tpu.memory_space<semaphore_mem>>
      %dma_wait3A_242 = tpu.memref_squeeze %dma_wait3A_241 : memref<1x!tpu.dma_semaphore, #tpu.memory_space<semaphore_mem>> -> memref<!tpu.dma_semaphore, #tpu.memory_space<semaphore_mem>>
      %dma_wait3A_243 = arith.constant 0 : i32
      %dma_wait3A_244 = tpu.memref_slice %arg4[%scan3A_213#30, %scan3A_213#31, %dma_wait3A_243] : memref<320x160x160xf32, #tpu.memory_space<hbm>> -> memref<1x29x160xf32, #tpu.memory_space<hbm>>
      %dma_wait3A_245 = tpu.memref_squeeze %dma_wait3A_244 : memref<1x29x160xf32, #tpu.memory_space<hbm>> -> memref<29x160xf32, #tpu.memory_space<hbm>>
      %dma_wait3A_246 = arith.constant 0 : i32
      %dma_wait3A_247 = arith.constant 0 : i32
      %dma_wait3A_248 = tpu.memref_slice %arg7[%dma_wait3A, %dma_wait3A_246, %dma_wait3A_247] : memref<2x29x160xf32, #tpu.memory_space<vmem>> -> memref<1x29x160xf32, #tpu.memory_space<vmem>>
      %dma_wait3A_249 = tpu.memref_squeeze %dma_wait3A_248 : memref<1x29x160xf32, #tpu.memory_space<vmem>> -> memref<29x160xf32, #tpu.memory_space<vmem>>
      tpu.wait_dma2 semaphore(%dma_wait3A_242 : memref<!tpu.dma_semaphore, #tpu.memory_space<semaphore_mem>>) src(%dma_wait3A_249 : memref<29x160xf32, #tpu.memory_space<vmem>>) dst(%dma_wait3A_245 : memref<29x160xf32, #tpu.memory_space<hbm>>)
    } else {
    }
    %eq3A_218 = arith.constant 15 : i32
    %eq3A_219 = arith.cmpi eq, %scan3A_213#32, %eq3A_218 : i32
    %convert_element_type3A_220 = arith.extui %eq3A_219 : i1 to i32
    %cond3A_221 = arith.constant 0 : i32
    %cond3A_222 = arith.cmpi ne, %convert_element_type3A_220, %cond3A_221 : i32
    scf.if %cond3A_222 {
      %dma_wait3A = arith.constant 0 : i32
      %dma_wait3A_233 = arith.constant 0 : i32
      %dma_wait3A_234 = arith.constant 0 : i32
      %dma_wait3A_235 = arith.constant 0 : i32
      %dma_wait3A_236 = tpu.memref_slice %arg7[%dma_wait3A, %dma_wait3A_234, %dma_wait3A_235] : memref<2x29x160xf32, #tpu.memory_space<vmem>> -> memref<1x15x160xf32, #tpu.memory_space<vmem>>
      %dma_wait3A_237 = tpu.memref_squeeze %dma_wait3A_236 : memref<1x15x160xf32, #tpu.memory_space<vmem>> -> memref<15x160xf32, #tpu.memory_space<vmem>>
      %dma_wait3A_238 = arith.constant 0 : i32
      %dma_wait3A_239 = tpu.memref_slice %arg4[%scan3A_213#30, %scan3A_213#31, %dma_wait3A_238] : memref<320x160x160xf32, #tpu.memory_space<hbm>> -> memref<1x15x160xf32, #tpu.memory_space<hbm>>
      %dma_wait3A_240 = tpu.memref_squeeze %dma_wait3A_239 : memref<1x15x160xf32, #tpu.memory_space<hbm>> -> memref<15x160xf32, #tpu.memory_space<hbm>>
      %dma_wait3A_241 = tpu.memref_slice %arg9[%dma_wait3A_233] : memref<2x!tpu.dma_semaphore, #tpu.memory_space<semaphore_mem>> -> memref<1x!tpu.dma_semaphore, #tpu.memory_space<semaphore_mem>>
      %dma_wait3A_242 = tpu.memref_squeeze %dma_wait3A_241 : memref<1x!tpu.dma_semaphore, #tpu.memory_space<semaphore_mem>> -> memref<!tpu.dma_semaphore, #tpu.memory_space<semaphore_mem>>
      %dma_wait3A_243 = arith.constant 0 : i32
      %dma_wait3A_244 = tpu.memref_slice %arg4[%scan3A_213#30, %scan3A_213#31, %dma_wait3A_243] : memref<320x160x160xf32, #tpu.memory_space<hbm>> -> memref<1x15x160xf32, #tpu.memory_space<hbm>>
      %dma_wait3A_245 = tpu.memref_squeeze %dma_wait3A_244 : memref<1x15x160xf32, #tpu.memory_space<hbm>> -> memref<15x160xf32, #tpu.memory_space<hbm>>
      %dma_wait3A_246 = arith.constant 0 : i32
      %dma_wait3A_247 = arith.constant 0 : i32
      %dma_wait3A_248 = tpu.memref_slice %arg7[%dma_wait3A, %dma_wait3A_246, %dma_wait3A_247] : memref<2x29x160xf32, #tpu.memory_space<vmem>> -> memref<1x15x160xf32, #tpu.memory_space<vmem>>
      %dma_wait3A_249 = tpu.memref_squeeze %dma_wait3A_248 : memref<1x15x160xf32, #tpu.memory_space<vmem>> -> memref<15x160xf32, #tpu.memory_space<vmem>>
      tpu.wait_dma2 semaphore(%dma_wait3A_242 : memref<!tpu.dma_semaphore, #tpu.memory_space<semaphore_mem>>) src(%dma_wait3A_249 : memref<15x160xf32, #tpu.memory_space<vmem>>) dst(%dma_wait3A_245 : memref<15x160xf32, #tpu.memory_space<hbm>>)
    } else {
    }
    %eq3A_223 = arith.constant 29 : i32
    %eq3A_224 = arith.cmpi eq, %scan3A_213#29, %eq3A_223 : i32
    %convert_element_type3A_225 = arith.extui %eq3A_224 : i1 to i32
    %cond3A_226 = arith.constant 0 : i32
    %cond3A_227 = arith.cmpi ne, %convert_element_type3A_225, %cond3A_226 : i32
    scf.if %cond3A_227 {
      %dma_wait3A = arith.constant 1 : i32
      %dma_wait3A_233 = arith.constant 1 : i32
      %dma_wait3A_234 = arith.constant 0 : i32
      %dma_wait3A_235 = arith.constant 0 : i32
      %dma_wait3A_236 = tpu.memref_slice %arg7[%dma_wait3A, %dma_wait3A_234, %dma_wait3A_235] : memref<2x29x160xf32, #tpu.memory_space<vmem>> -> memref<1x29x160xf32, #tpu.memory_space<vmem>>
      %dma_wait3A_237 = tpu.memref_squeeze %dma_wait3A_236 : memref<1x29x160xf32, #tpu.memory_space<vmem>> -> memref<29x160xf32, #tpu.memory_space<vmem>>
      %dma_wait3A_238 = arith.constant 0 : i32
      %dma_wait3A_239 = tpu.memref_slice %arg4[%scan3A_213#27, %scan3A_213#28, %dma_wait3A_238] : memref<320x160x160xf32, #tpu.memory_space<hbm>> -> memref<1x29x160xf32, #tpu.memory_space<hbm>>
      %dma_wait3A_240 = tpu.memref_squeeze %dma_wait3A_239 : memref<1x29x160xf32, #tpu.memory_space<hbm>> -> memref<29x160xf32, #tpu.memory_space<hbm>>
      %dma_wait3A_241 = tpu.memref_slice %arg9[%dma_wait3A_233] : memref<2x!tpu.dma_semaphore, #tpu.memory_space<semaphore_mem>> -> memref<1x!tpu.dma_semaphore, #tpu.memory_space<semaphore_mem>>
      %dma_wait3A_242 = tpu.memref_squeeze %dma_wait3A_241 : memref<1x!tpu.dma_semaphore, #tpu.memory_space<semaphore_mem>> -> memref<!tpu.dma_semaphore, #tpu.memory_space<semaphore_mem>>
      %dma_wait3A_243 = arith.constant 0 : i32
      %dma_wait3A_244 = tpu.memref_slice %arg4[%scan3A_213#27, %scan3A_213#28, %dma_wait3A_243] : memref<320x160x160xf32, #tpu.memory_space<hbm>> -> memref<1x29x160xf32, #tpu.memory_space<hbm>>
      %dma_wait3A_245 = tpu.memref_squeeze %dma_wait3A_244 : memref<1x29x160xf32, #tpu.memory_space<hbm>> -> memref<29x160xf32, #tpu.memory_space<hbm>>
      %dma_wait3A_246 = arith.constant 0 : i32
      %dma_wait3A_247 = arith.constant 0 : i32
      %dma_wait3A_248 = tpu.memref_slice %arg7[%dma_wait3A, %dma_wait3A_246, %dma_wait3A_247] : memref<2x29x160xf32, #tpu.memory_space<vmem>> -> memref<1x29x160xf32, #tpu.memory_space<vmem>>
      %dma_wait3A_249 = tpu.memref_squeeze %dma_wait3A_248 : memref<1x29x160xf32, #tpu.memory_space<vmem>> -> memref<29x160xf32, #tpu.memory_space<vmem>>
      tpu.wait_dma2 semaphore(%dma_wait3A_242 : memref<!tpu.dma_semaphore, #tpu.memory_space<semaphore_mem>>) src(%dma_wait3A_249 : memref<29x160xf32, #tpu.memory_space<vmem>>) dst(%dma_wait3A_245 : memref<29x160xf32, #tpu.memory_space<hbm>>)
    } else {
    }
    %eq3A_228 = arith.constant 15 : i32
    %eq3A_229 = arith.cmpi eq, %scan3A_213#29, %eq3A_228 : i32
    %convert_element_type3A_230 = arith.extui %eq3A_229 : i1 to i32
    %cond3A_231 = arith.constant 0 : i32
    %cond3A_232 = arith.cmpi ne, %convert_element_type3A_230, %cond3A_231 : i32
    scf.if %cond3A_232 {
      %dma_wait3A = arith.constant 1 : i32
      %dma_wait3A_233 = arith.constant 1 : i32
      %dma_wait3A_234 = arith.constant 0 : i32
      %dma_wait3A_235 = arith.constant 0 : i32
      %dma_wait3A_236 = tpu.memref_slice %arg7[%dma_wait3A, %dma_wait3A_234, %dma_wait3A_235] : memref<2x29x160xf32, #tpu.memory_space<vmem>> -> memref<1x15x160xf32, #tpu.memory_space<vmem>>
      %dma_wait3A_237 = tpu.memref_squeeze %dma_wait3A_236 : memref<1x15x160xf32, #tpu.memory_space<vmem>> -> memref<15x160xf32, #tpu.memory_space<vmem>>
      %dma_wait3A_238 = arith.constant 0 : i32
      %dma_wait3A_239 = tpu.memref_slice %arg4[%scan3A_213#27, %scan3A_213#28, %dma_wait3A_238] : memref<320x160x160xf32, #tpu.memory_space<hbm>> -> memref<1x15x160xf32, #tpu.memory_space<hbm>>
      %dma_wait3A_240 = tpu.memref_squeeze %dma_wait3A_239 : memref<1x15x160xf32, #tpu.memory_space<hbm>> -> memref<15x160xf32, #tpu.memory_space<hbm>>
      %dma_wait3A_241 = tpu.memref_slice %arg9[%dma_wait3A_233] : memref<2x!tpu.dma_semaphore, #tpu.memory_space<semaphore_mem>> -> memref<1x!tpu.dma_semaphore, #tpu.memory_space<semaphore_mem>>
      %dma_wait3A_242 = tpu.memref_squeeze %dma_wait3A_241 : memref<1x!tpu.dma_semaphore, #tpu.memory_space<semaphore_mem>> -> memref<!tpu.dma_semaphore, #tpu.memory_space<semaphore_mem>>
      %dma_wait3A_243 = arith.constant 0 : i32
      %dma_wait3A_244 = tpu.memref_slice %arg4[%scan3A_213#27, %scan3A_213#28, %dma_wait3A_243] : memref<320x160x160xf32, #tpu.memory_space<hbm>> -> memref<1x15x160xf32, #tpu.memory_space<hbm>>
      %dma_wait3A_245 = tpu.memref_squeeze %dma_wait3A_244 : memref<1x15x160xf32, #tpu.memory_space<hbm>> -> memref<15x160xf32, #tpu.memory_space<hbm>>
      %dma_wait3A_246 = arith.constant 0 : i32
      %dma_wait3A_247 = arith.constant 0 : i32
      %dma_wait3A_248 = tpu.memref_slice %arg7[%dma_wait3A, %dma_wait3A_246, %dma_wait3A_247] : memref<2x29x160xf32, #tpu.memory_space<vmem>> -> memref<1x15x160xf32, #tpu.memory_space<vmem>>
      %dma_wait3A_249 = tpu.memref_squeeze %dma_wait3A_248 : memref<1x15x160xf32, #tpu.memory_space<vmem>> -> memref<15x160xf32, #tpu.memory_space<vmem>>
      tpu.wait_dma2 semaphore(%dma_wait3A_242 : memref<!tpu.dma_semaphore, #tpu.memory_space<semaphore_mem>>) src(%dma_wait3A_249 : memref<15x160xf32, #tpu.memory_space<vmem>>) dst(%dma_wait3A_245 : memref<15x160xf32, #tpu.memory_space<hbm>>)
    } else {
    }
    return
  }
}

</mosaic_0001>

<sc_bundles>
// kernel: kernel.3.cloned.1.call-start
scs
__scs_entry_jumppad:
0x0: {  	(pc) =	sbr.rel $0x88, $3  }
0x1: {  	(tag) =	ssettag $0x0;
	lr =	simm.s32 $0x1  }
0x2: {  	[smem:$0x3FA0] =	sst lr;
	_ =	strace $0xD0000000  }
0x3: {  	_ = 	snop  }
0x4: {  	_ = 	snop  }
0x5: {  	_ = 	snop  }
0x6: {  	_ = 	snop  }
0x7: {  	_ = 	snop  }
__scs_overlays_trampoline_lowered:
0x8: {  	[smem:$0x3FAF] =	sst s0  }
0x9: {  	[smem:$0x3FB0] =	sst s1  }
0xa: {  	[smem:$0x3FB1] =	sst s2  }
0xb: {  	[smem:$0x3FB2] =	sst s3  }
0xc: {  	[smem:$0x3FB3] =	sst s4  }
0xd: {  	[smem:$0x3FB4] =	sst s5  }
0xe: {  	[smem:$0x3FB5] =	sst s6  }
0xf: {  	[smem:$0x3FB6] =	sst s7  }
0x10: {  	[smem:$0x3FB7] =	sst s8  }
0x11: {  	[smem:$0x3FB8] =	sst s9;
	s0 =	simm.s32 @!p0 $0x0  }
0x12: {  	s1 =	sld [smem:$0x3F9E];
	s0 =	simm.s32 @p0 $0x1  }
0x13: {  	[smem:$0x3FB9] =	sst s0;
	s0 =	simm.s32 @!p1 $0x0  }
0x14: {  	s2 =	sld [smem:$0x3F9D];
	s0 =	simm.s32 @p1 $0x1  }
0x15: {  	[smem:$0x3FBA] =	sst s0;
	s0 =	simm.s32 @!p2 $0x0  }
0x16: {  	s3 =	sld [smem:$0x3FDB];
	s0 =	simm.s32 @p2 $0x1  }
0x17: {  	s4 =	simm.s32 $0x1BF5;
	[smem:$0x3FBC] =	sst s0  }
0x18: {  	s0 =	sld [smem:$0x3F9F];
	_ =	swait.ge [sflag:s4], $0x0  }
0x19: {  	s7 =	sld [smem:$0x3FA0]  }
0x1a: {  	s8 =	sadd.s32 $0xFFFFE003, lr  }
0x1b: {  	s9 =	sadd.s32 $0xFFFFFEF7, lr;
	s5 =	simm.s32 $0xFFFFFFFF;
	p2 =	slt.u32 s8, $0xFFFFF086  }
0x1c: {  	p1 =	slt.u32 s9, $0xF7A;
	s5 =	simm.s32 @!p2 $0x0  }
0x1d: {  	s5 =	simm.s32 @p1 $0x1;
	p0 =	seq.s32 s7, s2  }
0x1e: {  	s7 =	smul.u32 @!p0 $0xF7A, s2;
	p2 =	seq.s32 @!p0 s5, $0x0  }
0x1f: {  	s9 =	smul.u32 $0xF7A, s1;
	s8 =	simm.s32 @!p0 $0x1BF5;
	p2 =	por !p2, p0  }
0x20: {  	[sflag:s8] =	ssyncset.s32 @!p0 $0xFFFFF086;
	s6 =	sadd.s32 @!p0 s3, s7;
	s7 =	simm.s32 @!p0 $0x108  }
0x21: {  	s3 =	sadd.s32 s3, s9;
	s6 =	sadd.s32 @!p0 $0x88, s6;
	s7 =	simm.s32 @p2 $0x1082  }
0x22: {  	[simem:s7], [sflag:s8] =	dma.local @!p0 [hbm:s6], $0xF7A  }
0x23: {  	s9 =	sor.u32 $0xD0000000, s2;
	s6 =	simm.s32 $0x108;
	_ =	swait.ge @!p0 [sflag:s8], $0x0  }
0x24: {  	s3 =	sadd.s32 $0x88, s3;
	s6 =	simm.s32 @!p1 $0x1082;
	[sflag:s4] =	ssyncset.s32 $0xFFFFF086  }
0x25: {  	[simem:s6], [sflag:s4] =	dma.local [hbm:s3], $0xF7A  }
0x26: {  	[smem:$0x3FA0] =	sst s1;
	(tag) =	ssettag s2;
	_ =	strace s9  }
0x27: {  	s1 =	sld [smem:$0x3FB0]  }
0x28: {  	s2 =	sld [smem:$0x3FB1]  }
0x29: {  	s4 =	sld [smem:$0x3FB3]  }
0x2a: {  	p0 =	seq.s32 s5, $0x0;
	s5 =	sld [smem:$0x3FB4]  }
0x2b: {  	s6 =	sld [smem:$0x3FB5]  }
0x2c: {  	s7 =	sld [smem:$0x3FB6]  }
0x2d: {  	s3 =	simm.s32 $0x108;
	s8 =	sld [smem:$0x3FB7]  }
0x2e: {  	s3 =	simm.s32 @!p0 $0x1082;
	s9 =	sld [smem:$0x3FB8]  }
0x2f: {  	lr =	sadd.s32 s0, s3;
	s0 =	sld [smem:$0x3FAF]  }
0x30: {  	s3 =	sld [smem:$0x3FB2]  }
0x31: {  	[smem:$0x3FBB] =	sst s10  }
0x32: {  	s10 =	sld [smem:$0x3FB9];
	_ =	sdelay $0x3  }
0x33: {  	p0 =	seq.s32 s10, $0x1;
	s10 =	sld [smem:$0x3FBB];
	_ =	sdelay $0x3  }
0x34: {  	[smem:$0x3FBB] =	sst s10  }
0x35: {  	s10 =	sld [smem:$0x3FBA];
	_ =	sdelay $0x3  }
0x36: {  	p1 =	seq.s32 s10, $0x1;
	s10 =	sld [smem:$0x3FBB];
	_ =	sdelay $0x3  }
0x37: {  	[smem:$0x3FBB] =	sst s10  }
0x38: {  	s10 =	sld [smem:$0x3FBC]  }
0x39: {  	_ = 	snop;
	(pc) =	sbr.ind lr, $3  }
0x3a: {  	_ = 	snop  }
0x3b: {  	_ = 	snop  }
0x3c: {  	p2 =	seq.s32 s10, $0x1;
	s10 =	sld [smem:$0x3FBB]  }
0x3d: {  	_ =	shalt  }
0x3e: {  	_ =	shalt  }
0x3f: {  	_ =	shalt  }
0x40: {  	_ =	shalt  }
0x41: {  	_ =	shalt  }
0x42: {  	_ =	shalt  }
0x43: {  	_ =	shalt  }
0x44: {  	_ =	shalt  }
0x45: {  	_ =	shalt  }
0x46: {  	_ =	shalt  }
0x47: {  	_ =	shalt  }
0x48: {  	_ =	shalt  }
0x49: {  	_ =	shalt  }
0x4a: {  	_ =	shalt  }
0x4b: {  	_ =	shalt  }
0x4c: {  	_ =	shalt  }
0x4d: {  	_ =	shalt  }
0x4e: {  	_ =	shalt  }
0x4f: {  	_ =	shalt  }
0x50: {  	_ =	shalt  }
0x51: {  	_ =	shalt  }
0x52: {  	_ =	shalt  }
0x53: {  	_ =	shalt  }
0x54: {  	_ =	shalt  }
0x55: {  	_ =	shalt  }
0x56: {  	_ =	shalt  }
0x57: {  	_ =	shalt  }
0x58: {  	_ =	shalt  }
0x59: {  	_ =	shalt  }
0x5a: {  	_ =	shalt  }
0x5b: {  	_ =	shalt  }
0x5c: {  	_ =	shalt  }
0x5d: {  	_ =	shalt  }
0x5e: {  	_ =	shalt  }
0x5f: {  	_ =	shalt  }
0x60: {  	_ =	shalt  }
0x61: {  	_ =	shalt  }
0x62: {  	_ =	shalt  }
0x63: {  	_ =	shalt  }
0x64: {  	_ =	shalt  }
0x65: {  	_ =	shalt  }
0x66: {  	_ =	shalt  }
0x67: {  	_ =	shalt  }
0x68: {  	_ =	shalt  }
0x69: {  	_ =	shalt  }
0x6a: {  	_ =	shalt  }
0x6b: {  	_ =	shalt  }
0x6c: {  	_ =	shalt  }
0x6d: {  	_ =	shalt  }
0x6e: {  	_ =	shalt  }
0x6f: {  	_ =	shalt  }
0x70: {  	_ =	shalt  }
0x71: {  	_ =	shalt  }
0x72: {  	_ =	shalt  }
0x73: {  	_ =	shalt  }
0x74: {  	_ =	shalt  }
0x75: {  	_ =	shalt  }
0x76: {  	_ =	shalt  }
0x77: {  	_ =	shalt  }
0x78: {  	_ =	shalt  }
0x79: {  	_ =	shalt  }
0x7a: {  	_ =	shalt  }
0x7b: {  	_ =	shalt  }
0x7c: {  	_ =	shalt  }
0x7d: {  	_ =	shalt  }
0x7e: {  	_ =	shalt  }
0x7f: {  	_ =	shalt  }
0x80: {  	_ =	shalt  }
0x81: {  	_ =	shalt  }
0x82: {  	_ =	shalt  }
0x83: {  	_ =	shalt  }
0x84: {  	_ =	shalt  }
0x85: {  	_ =	shalt  }
0x86: {  	_ =	shalt  }
0x87: {  	_ =	shalt  }
.Lfunc_end0:
.L_simem_size_0:
called_computation_lowered:
.L_overlay_start_0:
0x88: {  	s2 =	sld [smem:$0x3FD9]  }
0x89: {  	s3 =	sld [smem:$0x3FFE];
	_ =	sdelay $0x1  }
0x8a: {  	s1 =	srdreg.scid  }
0x8b: {  	s0 =	sand.u32 $0x1, s1  }
0x8c: {  	s17 =	sshll.u32 s0, $0xA;
	s2 =	sadd.s32 s3, s2  }
0x8d: {  	s2 =	sadd.s32 s2, s17  }
0x8e: {  	[smem:$0x3FC7] =	sst s2  }
0x8f: {  	_ = 	snop  }
0x90: {  	s2 =	sld [smem:$0x3FD0];
	(tm) =	ssettm $0x1  }
0x91: {  	s18 =	sld [smem:$0x3FFB];
	_ =	sdelay $0x3  }
0x92: {  	_ =	strace s18  }
0x93: {  	s3 =	sld [smem:$0x3FFC];
	_ =	sdelay $0x3  }
0x94: {  	_ =	strace s3  }
0x95: {  	s3 =	sld [smem:$0x3FFD];
	_ =	sdelay $0x3  }
0x96: {  	_ =	strace s3  }
0x97: {  	_ =	strace $0x8FFFFFFF  }
0x98: {  	s19 =	sld [smem:$0x3FDB];
	_ =	sdelay $0x1  }
0x99: {  	s4 =	simm.s32 $_scs_section_size  }
0x9a: {  	s5 =	simm.s32 $_size__tile_overlayer_lowered;
	s6 =	simm.s32 $_tile_overlayer_lowered  }
0x9b: {  	s22 =	simm.s32 $0x1BFF;
	s21 =	sshll.u32 s6, $0x1;
	s3 =	sadd.s32 s4, s19  }
0x9c: {  	s7 =	simm.s32 $0x0;
	s20 =	sshll.u32 s5, $0x1;
	s5 =	sadd.s32 s21, s3  }
0x9d: {  	[timem:s7], [sflag:s22] =	dma.local [hbm:s5], s20  }
0x9e: {  	_ =	swait.ge [sflag:s22], s20  }
0x9f: {  	s4 =	ssub.s32 $0x0, s20;
	[sflag:s22] =	ssyncset.done $0x0  }
0xa0: {  	[sflag:s22] =	ssyncadd.s32 s4;
	_ =	sdelay $0x1  }
0xa1: {  	s23 =	simm.s32 $0x1B8B  }
0xa2: {  	_ =	swait.ge [sflag:s23], $0x1  }
0xa3: {  	[sflag:s23] =	ssyncset.done $0x0  }
0xa4: {  	s25 =	simm.s32 $0x1B8E;
	s24 =	sld [smem:$0x3FFE];
	[sflag:s23] =	ssyncadd.s32 $0xFFFFFFFF  }
0xa5: {  	s26 =	simm.s32 $execute0_lowered;
	[smem:$0x3FD2] =	sst s25  }
0xa6: {  	s5 =	sshll.u32 s26, $0x1;
	_ =	strace $0x80000046;
	[dreg:$0x1] =	wrdreg $0xFFFFFFFF  }
0xa7: {  	s28 =	simm.s32 $_size_execute0_lowered;
	s3 =	sadd.s32 s3, s5;
	[dreg:$0x0] =	wrdreg $0x0  }
0xa8: {  	s5 =	sshll.u32 s28, $0x1;
	[dreg:$0x2] =	wrdreg s3  }
0xa9: {  	[dreg:$0x3] =	wrdreg s5  }
0xaa: {  	[dreg:$0x4] =	wrdreg $0xC0  }
0xab: {  	_ =	task [dreg:s7], $0x5FFFF  }
0xac: {  	[dreg:$0x1] =	wrdreg $0xFFFFFFFF  }
0xad: {  	[dreg:$0x0] =	wrdreg $0x60  }
0xae: {  	[dreg:$0x2] =	wrdreg s2  }
0xaf: {  	[dreg:$0x3] =	wrdreg s24  }
0xb0: {  	[dreg:$0x4] =	wrdreg $0x9  }
0xb1: {  	_ =	task.clear_ibuf [dreg:s7], $0x5FFFF;
	_ =	strace $0x90000046  }
0xb2: {  	s29 =	simm.s32 $0x9;
	_ =	strace $0x80000048  }
0xb3: {  	_ =	swait.ge [sflag:s29], $0x1  }
0xb4: {  	[sflag:s29] =	ssyncadd.s32 $0xFFFFFFFF  }
0xb5: {  	_ =	strace $0x90000048  }
0xb6: {  	_ =	sfence  }
0xb7: {  	s30 =	sld [smem:$0x0];
	_ =	sdelay $0x2  }
0xb8: {  	s31 =	sshll.u32 s1, $0xD;
	s1 =	sshrl.u32 s1, $0x2  }
0xb9: {  	s3 =	sand.u32 $0x4000, s31;
	s1 =	sadd.s32 s1, s30  }
0xba: {  	s0 =	sor.u32 s3, s0;
	s1 =	sshll.u32 s1, $0x11  }
0xbb: {  	s0 =	sor.u32 s1, s0  }
0xbc: {  	s0 =	sadd.s32 $0x8F2B, s0  }
0xbd: {  	[sflag:s0] =	ssyncadd.remote.s32 $0x1  }
0xbe: {  	_ =	sfence.sel $0xFFFF  }
0xbf: {  	[dreg:$0x0] =	wrdreg $0xFFFFFFFF;
	(pc) =	sbr.abs _section_cstart, $3  }
0xc0: {  	[dreg:$0x1] =	wrdreg $0xFFFFFFFF  }
0xc1: {  	_ =	task.clear_ibuf [dreg:s7], $0x2FFFF;
	_ =	strace $0x9FFFFFFF  }
0xc2: {  	(tm) =	ssettm $0x7FFFFFFF  }
0xc3: {  	_ =	shalt  }
tec
execute0_lowered:
.L_overlay_start_1:
0x0: {  	(tag) =	ssettag $0x1  }
0x1: {  	s0 =	srdreg.scid;
	s2 =	stileid.u32  }
0x2: {  	s0 =	sand.u32 $0x1, s0;
	s2 =	sshll.u32 s2, $0x1  }
0x3: {  	s1 =	rddreg [dreg:$0x1];
	s3 =	simm.s32 $0x0;
	vm0 =	vcmask $0x700;
	v0 =	vimm.f32 $-1.000000000e+00;
	s2 =	sor.u32 s0, s2  }
0x4: {  	vm1 =	vcmask $0x2F00;
	[smem:$0x7FF] =	sst s3;
	v1 =	vsel vm0, $0x80000000, v0;
	s0 =	ssub.s32 $0x2, s0;
	s2 =	smul.u32 $0xF4, s2  }
.Ltmp0:
0x5: {  	vm12 =	vcmask $0x1700;
	v62 =	vsel vm1, $0x80000000, v0;
	_ =	strace $0x80000047;
	[tilespmem:$0x1FFB0] =	vst v1;
	s30 =	sshrl.u32 s0, $0x1;
	(pc) =	sbr.rel .LBB2_1-.Ltmp0, $4  }
0x6: {  	vm13 =	vcmask $0x2700;
	v63 =	vimm.f32 $0.0e+00;
	v0 =	vsel vm12, $0x80000000, v0;
	[tilespmem:$0x1FFC0] =	vst v62;
	s0 =	ssub.s32 s0, s30;
	s2 =	sadd.s32 s2, s1;
	s1 =	sadd.s32 $0x2400, s1  }
0x7: {  	vm14 =	vcmask $0xF00;
	v54 =	vsel vm13, $0x3F800000, v63;
	[tilespmem:$0x1FFD0] =	vst v0;
	s0 =	smax.u32 s0, $0x1;
	[dreg:$0x3] =	wrdreg s1  }
0x8: {  	vm15 =	vcmask $0x3700;
	v58 =	vsel vm14, $0x3F800000, v63;
	[tilespmem:$0x1FFE0] =	vst v54;
	s31 =	sadd.s32 $0x400, s2;
	[dreg:$0x5] =	wrdreg s0  }
0x9: {  	s8 =	simm.s32 $0x7A0;
	v6 =	vsel vm15, $0x3F800000, v63;
	[tilespmem:$0x1FFF0] =	vst v58;
	s2 =	simm.s32 $0x0;
	[dreg:$0x4] =	wrdreg s31  }
.LBB2_9:
0xa: {  	p0 =	seq.s32 s5, $0xF  }
0xb: {  	s0 =	simm.s32 @p0 $0x3  }
0xc: {  	p3 =	sne.s32 @!p0 s5, $0x1D;
	_ =	swait.ge @p0 [sflag:s0], $0x960  }
0xd: {  	p3 =	por p3, p0;
	[sflag:s0] =	ssyncset.done @p0 $0x0  }
0xe: {  	[sflag:s0] =	ssyncadd.s32 @p0 $0xFFFFF6A0;
	s0 =	simm.s32 @!p3 $0x3  }
0xf: {  	_ =	swait.ge @!p3 [sflag:s0], $0x1220  }
0x10: {  	[sflag:s0] =	ssyncset.done @!p3 $0x0  }
0x11: {  	[sflag:s0] =	ssyncadd.s32 @!p3 $0xFFFFEDE0;
	s0 =	simm.s32 @p1 $0x4  }
0x12: {  	_ =	swait.ge @p1 [sflag:s0], $0x960  }
0x13: {  	[sflag:s0] =	ssyncset.done @p1 $0x0  }
0x14: {  	[sflag:s0] =	ssyncadd.s32 @p1 $0xFFFFF6A0;
	s0 =	simm.s32 @!p2 $0x4  }
0x15: {  	_ =	swait.ge @!p2 [sflag:s0], $0x1220  }
0x16: {  	s2 =	rddreg [dreg:$0x6]  }
0x17: {  	s1 =	rddreg [dreg:$0x5];
	s2 =	sadd.s32 $0x1, s2  }
0x18: {  	p0 =	sne.s32 s2, s1  }
.Ltmp1:
0x19: {  	_ = 	snop;
	(pc) =	sbr.rel @!p0 .LBB2_10-.Ltmp1, $3  }
0x1a: {  	_ =	sdelay $0x1  }
0x1b: {  	[sflag:s0] =	ssyncset.done @!p2 $0x0  }
0x1c: {  	[sflag:s0] =	ssyncadd.s32 @!p2 $0xFFFFEDE0  }
.LBB2_1:
0x1d: {  	[dreg:$0x6] =	wrdreg s2  }
0x1e: {  	s4 =	simm.s32 $0x0;
	s0 =	rddreg [dreg:$0x4];
	s21 =	simm.s32 $0x5  }
0x1f: {  	[tilespmem:s4], [sflag:$0x5] =	stream.linear.gather [hbm4b:s0+s4], $0x7A0, $0x38;
	[tilespmem:$0xBCE0] =	vst v63  }
0x20: {  	_ =	swait.ge [sflag:s21], $0x7A0  }
0x21: {  	[sflag:s21] =	ssyncset.done $0x0  }
0x22: {  	[sflag:s21] =	ssyncadd.s32 $0xFFFFF860  }
0x23: {  	v0 =	vld [tilespmem:$0x0];
	_ =	sdelay $0x4  }
0x24: {  	(v2sf) =	vpush v0, $0x0  }
0x25: {  	(v2sf) =	vpush v0, $0x1  }
0x26: {  	(v2sf) =	vpush v0, $0x2  }
0x27: {  	(v2sf) =	vpush v0, $0x6  }
0x28: {  	(v2sf) =	vpush v0, $0x7  }
0x29: {  	(v2sf) =	vpush v0, $0x8  }
0x2a: {  	v1 =	vld [tilespmem:$0x10];
	(v2sf) =	vpush v0, $0x9  }
0x2b: {  	(v2sf) =	vpush v0, $0xC  }
0x2c: {  	(v2sf) =	vpush v0, $0xD  }
0x2d: {  	(v2sf) =	vpush v0, $0xE  }
0x2e: {  	(v2sf) =	vpush v0, $0xF  }
0x2f: {  	(v2sf) =	vpush v1, $0x2  }
0x30: {  	(v2sf) =	vpush v1, $0x3  }
0x31: {  	(v2sf) =	vpush v1, $0x4  }
0x32: {  	(v2sf) =	vpush v1, $0x5  }
0x33: {  	s20 =	spop (v2sf);
	(v2sf) =	vpush v1, $0x8  }
0x34: {  	v7 =	vmul.u32 $0x6400, v0;
	s19 =	spop (v2sf);
	(v2sf) =	vpush v1, $0x9  }
0x35: {  	v0 =	vmul.u32 $0xA0, v0;
	s13 =	spop (v2sf);
	(v2sf) =	vpush v1, $0xA  }
0x36: {  	s10 =	spop (v2sf);
	(v2sf) =	vpush v7, $0x4  }
0x37: {  	s12 =	spop (v2sf);
	(v2sf) =	vpush v0, $0x5  }
0x38: {  	v63 =	vmul.u32 $0x6400, v1;
	s7 =	spop (v2sf);
	(v2sf) =	vpush v7, $0xA  }
0x39: {  	s21 =	spop (v2sf);
	(v2sf) =	vpush v0, $0xB  }
0x3a: {  	v1 =	vmul.u32 $0xA0, v1;
	s23 =	spop (v2sf);
	(v2sf) =	vpush v63, $0x0  }
0x3b: {  	s14 =	spop (v2sf)  }
0x3c: {  	(v2sf) =	vpush v1, $0x1;
	s9 =	spop (v2sf)  }
0x3d: {  	s25 =	spop (v2sf)  }
0x3e: {  	s24 =	spop (v2sf)  }
0x3f: {  	s15 =	spop (v2sf)  }
0x40: {  	s11 =	spop (v2sf)  }
0x41: {  	s28 =	spop (v2sf)  }
0x42: {  	s29 =	spop (v2sf);
	(v2sf) =	vpush v63, $0x6  }
0x43: {  	s31 =	spop (v2sf);
	(v2sf) =	vpush v1, $0x7  }
0x44: {  	s18 =	spop (v2sf)  }
0x45: {  	s22 =	spop (v2sf)  }
0x46: {  	s1 =	spop (v2sf)  }
0x47: {  	s0 =	sadd.s32 s1, s22;
	s26 =	spop (v2sf)  }
0x48: {  	s3 =	rddreg [dreg:$0x0];
	s0 =	sshrl.u32 s0, $0x3;
	s30 =	spop (v2sf)  }
0x49: {  	s0 =	sadd.s32 s3, s0;
	s1 =	sadd.s32 s30, s26;
	s2 =	spop (v2sf)  }
0x4a: {  	[tilespmem:s8], [sflag:$0x1] =	stream.linear.gather [hbm4b:s0+s4], $0x1220, $0x38;
	[tilespmem:$0xBCE0] =	vst v63  }
0x4b: {  	s0 =	sshrl.u32 s1, $0x3;
	s6 =	spop (v2sf)  }
0x4c: {  	s5 =	simm.s32 $0x19C0;
	s0 =	sadd.s32 s3, s0;
	s16 =	sadd.s32 s6, s2  }
0x4d: {  	[tilespmem:s5], [sflag:$0x1] =	stream.linear.gather [hbm4b:s0+s4], $0x1220, $0x38;
	[tilespmem:$0xBCE0] =	vst v63  }
0x4e: {  	s0 =	sshrl.u32 s16, $0x3  }
0x4f: {  	s22 =	simm.s32 $0x2BE0;
	s0 =	sadd.s32 s3, s0  }
0x50: {  	[tilespmem:s22], [sflag:$0x1] =	stream.linear.gather [hbm4b:s0+s4], $0x1220, $0x38;
	[tilespmem:$0xBCE0] =	vst v63  }
0x51: {  	s17 =	spop (v2sf)  }
.Ltmp2:
0x52: {  	s26 =	spop (v2sf);
	(pc) =	sbr.rel .LBB2_2-.Ltmp2, $4  }
0x53: {  	p0 =	por $0x0, $0x0;
	s0 =	sadd.s32 s26, s17  }
0x54: {  	s30 =	simm.s32 $0x3E00;
	s1 =	simm.s32 $0x0;
	s0 =	sshrl.u32 s0, $0x3  }
0x55: {  	s6 =	simm.s32 $0x1D;
	s2 =	simm.s32 $0x1D;
	s0 =	sadd.s32 s3, s0  }
0x56: {  	[tilespmem:s30], [sflag:$0x1] =	stream.linear.gather [hbm4b:s0+s4], $0x1220, $0x38;
	[tilespmem:$0xBCE0] =	vst v63  }
.LBB2_8:
0x57: {  	s6 =	rddreg [dreg:$0x3]  }
0x58: {  	s21 =	rddreg [dreg:$0x7]  }
0x59: {  	s12 =	rddreg [dreg:$0x8]  }
0x5a: {  	s7 =	rddreg [dreg:$0x9]  }
0x5b: {  	s23 =	rddreg [dreg:$0xa]  }
0x5c: {  	s14 =	rddreg [dreg:$0xb]  }
0x5d: {  	s9 =	rddreg [dreg:$0xc]  }
0x5e: {  	s25 =	rddreg [dreg:$0xd]  }
0x5f: {  	p1 =	seq.s32 s13, $0xF;
	s24 =	rddreg [dreg:$0xe]  }
0x60: {  	s15 =	rddreg [dreg:$0xf];
	s0 =	smul.u32 @p1 $0x6400, s20  }
0x61: {  	s28 =	rddreg [dreg:$0x11];
	s2 =	smul.u32 @p1 $0xA0, s19  }
0x62: {  	s29 =	rddreg [dreg:$0x12];
	s3 =	smul.u32 @p1 $0x4880, s11  }
0x63: {  	s4 =	simm.s32 @p1 $0x0;
	p2 =	sne.s32 @!p1 s13, $0x1D;
	s0 =	sadd.s32 @p1 s0, s2  }
0x64: {  	p2 =	por p2, p1;
	s3 =	sshrl.u32 @p1 s3, $0x2;
	s0 =	sshrl.u32 @p1 s0, $0x3  }
0x65: {  	s2 =	sadd.s32 @p1 $0x3, s11;
	s3 =	sadd.s32 @p1 $0x98A0, s3;
	s0 =	sadd.s32 @p1 s6, s0  }
0x66: {  	[hbm4b:s0+s4] =	stream.linear.scatter @p1 [tilespmem:s3], [sflag:s2], $0x960, $0x38;
	[tilespmem:$0xBCE0] =	vst v63  }
0x67: {  	p3 =	sne.s32 s1, $0x3C;
	s18 =	rddreg [dreg:$0x13];
	s0 =	smul.u32 @!p2 $0x6400, s20  }
0x68: {  	p0 =	por !p0, !p0;
	s31 =	rddreg [dreg:$0x14];
	s2 =	smul.u32 @!p2 $0xA0, s19  }
0x69: {  	s3 =	smul.u32 @!p2 $0x4880, s11;
	s4 =	simm.s32 @!p2 $0x0;
	s19 =	rddreg [dreg:$0x16]  }
.Ltmp3:
0x6a: {  	s20 =	rddreg [dreg:$0x15];
	s0 =	sadd.s32 @!p2 s0, s2;
	(pc) =	sbr.rel @!p3 .LBB2_9-.Ltmp3, $4  }
0x6b: {  	s2 =	sadd.s32 @!p2 $0x3, s11;
	s3 =	sshrl.u32 @!p2 s3, $0x2;
	s0 =	sshrl.u32 @!p2 s0, $0x3  }
0x6c: {  	s11 =	rddreg [dreg:$0x10];
	s3 =	sadd.s32 @!p2 $0x98A0, s3;
	s0 =	sadd.s32 @!p2 s6, s0  }
0x6d: {  	[hbm4b:s0+s4] =	stream.linear.scatter @!p2 [tilespmem:s3], [sflag:s2], $0x1220, $0x38;
	[tilespmem:$0xBCE0] =	vst v63  }
0x6e: {  	s6 =	smov.u32 s5;
	s2 =	smov.u32 s13;
	s13 =	rddreg [dreg:$0x17]  }
.LBB2_2:
0x6f: {  	s17 =	smov.u32 s1;
	s1 =	sadd.s32 $0x1, s1  }
0x70: {  	s0 =	sshll.u32 s1, $0x5  }
0x71: {  	s0 =	sand.u32 $0x3FFFFFE0, s0  }
0x72: {  	v0 =	vld [tilespmem:s0+$0x0];
	_ =	sdelay $0x4  }
0x73: {  	(v2sf) =	vpush v0, $0x0  }
0x74: {  	(v2sf) =	vpush v0, $0x1  }
0x75: {  	(v2sf) =	vpush v0, $0x2  }
0x76: {  	(v2sf) =	vpush v0, $0x6  }
0x77: {  	(v2sf) =	vpush v0, $0x7  }
0x78: {  	(v2sf) =	vpush v0, $0x8  }
0x79: {  	v1 =	vld [tilespmem:s0+$0x10];
	(v2sf) =	vpush v0, $0x9  }
0x7a: {  	(v2sf) =	vpush v0, $0xC  }
0x7b: {  	(v2sf) =	vpush v0, $0xD  }
0x7c: {  	(v2sf) =	vpush v0, $0xE  }
0x7d: {  	(v2sf) =	vpush v0, $0xF  }
0x7e: {  	(v2sf) =	vpush v1, $0x2  }
0x7f: {  	(v2sf) =	vpush v1, $0x3  }
0x80: {  	(v2sf) =	vpush v1, $0x4  }
0x81: {  	(v2sf) =	vpush v1, $0x5  }
0x82: {  	p1 =	seq.s32 s17, $0x3B;
	s5 =	spop (v2sf);
	(v2sf) =	vpush v1, $0x8  }
0x83: {  	v7 =	vmul.u32 @!p1 $0x6400, v0;
	s16 =	spop (v2sf);
	(v2sf) =	vpush v1, $0x9  }
0x84: {  	v0 =	vmul.u32 @!p1 $0xA0, v0;
	s22 =	spop (v2sf);
	(v2sf) =	vpush v1, $0xA  }
0x85: {  	[dreg:$0x16] =	wrdreg s16;
	s16 =	smov.u32 s10;
	s10 =	spop (v2sf);
	(v2sf) =	vpush @!p1 v7, $0x4  }
0x86: {  	[dreg:$0x15] =	wrdreg s5;
	s26 =	spop (v2sf);
	(v2sf) =	vpush @!p1 v0, $0x5  }
0x87: {  	[dreg:$0x17] =	wrdreg s22;
	s30 =	spop (v2sf)  }
0x88: {  	[dreg:$0x8] =	wrdreg s26;
	s4 =	spop (v2sf)  }
0x89: {  	[dreg:$0x9] =	wrdreg s30;
	s5 =	spop (v2sf)  }
0x8a: {  	s3 =	smov.u32 s7;
	[dreg:$0x7] =	wrdreg s4;
	s7 =	spop (v2sf)  }
0x8b: {  	(v2sf) =	vpush @!p1 v7, $0xA;
	s4 =	smov.u32 s9;
	[dreg:$0xa] =	wrdreg s5;
	s9 =	spop (v2sf)  }
0x8c: {  	(v2sf) =	vpush @!p1 v0, $0xB;
	[dreg:$0xb] =	wrdreg s7;
	s22 =	spop (v2sf)  }
0x8d: {  	[dreg:$0xc] =	wrdreg s9;
	s26 =	spop (v2sf)  }
0x8e: {  	[dreg:$0xd] =	wrdreg s22;
	s30 =	spop (v2sf)  }
0x8f: {  	v0 =	vmul.u32 @!p1 $0x6400, v1;
	[dreg:$0xe] =	wrdreg s26;
	s7 =	spop (v2sf)  }
0x90: {  	v1 =	vmul.u32 @!p1 $0xA0, v1;
	[dreg:$0xf] =	wrdreg s30;
	s9 =	spop (v2sf)  }
0x91: {  	s5 =	smov.u32 s11;
	(v2sf) =	vpush @!p1 v0, $0x0;
	[dreg:$0x10] =	wrdreg s7;
	s11 =	spop (v2sf)  }
0x92: {  	s7 =	smov.u32 s18;
	(v2sf) =	vpush @!p1 v1, $0x1;
	[dreg:$0x12] =	wrdreg s11;
	s18 =	spop (v2sf)  }
0x93: {  	s11 =	sand.u32 $0x1, s17;
	[dreg:$0x14] =	wrdreg s18;
	s22 =	spop (v2sf)  }
0x94: {  	s26 =	sxor.u32 @!p1 $0x1, s11;
	[dreg:$0x13] =	wrdreg s22;
	s22 =	spop @!p1 (v2sf)  }
0x95: {  	s18 =	smul.u32 @!p1 $0x12200, s26;
	s30 =	spop @!p1 (v2sf)  }
0x96: {  	s0 =	simm.s32 @!p1 $0x0;
	[dreg:$0x11] =	wrdreg s9;
	s22 =	sadd.s32 @!p1 s30, s22  }
0x97: {  	s9 =	rddreg [dreg:$0x0];
	(v2sf) =	vpush @!p1 v0, $0x6;
	s18 =	sshrl.u32 @!p1 s18, $0x2;
	s22 =	sshrl.u32 @!p1 s22, $0x3  }
0x98: {  	(v2sf) =	vpush @!p1 v1, $0x7;
	s26 =	sadd.s32 @!p1 $0x1, s26;
	s30 =	sadd.s32 @!p1 $0x7A0, s18;
	s22 =	sadd.s32 @!p1 s9, s22  }
0x99: {  	[tilespmem:s30], [sflag:s26] =	stream.linear.gather @!p1 [hbm4b:s22+s0], $0x1220, $0x38;
	[tilespmem:$0xBCE0] =	vst v63  }
0x9a: {  	s22 =	spop @!p1 (v2sf)  }
0x9b: {  	s30 =	spop @!p1 (v2sf)  }
0x9c: {  	s22 =	sadd.s32 @!p1 s30, s22  }
0x9d: {  	s22 =	sshrl.u32 @!p1 s22, $0x3  }
0x9e: {  	s30 =	sadd.s32 @!p1 $0x19C0, s18;
	s22 =	sadd.s32 @!p1 s9, s22  }
0x9f: {  	[tilespmem:s30], [sflag:s26] =	stream.linear.gather @!p1 [hbm4b:s22+s0], $0x1220, $0x38;
	[tilespmem:$0xBCE0] =	vst v63  }
0xa0: {  	s22 =	spop @!p1 (v2sf)  }
0xa1: {  	s30 =	spop @!p1 (v2sf)  }
0xa2: {  	s22 =	sadd.s32 @!p1 s30, s22  }
0xa3: {  	s22 =	sshrl.u32 @!p1 s22, $0x3  }
0xa4: {  	s30 =	sadd.s32 @!p1 $0x2BE0, s18;
	s22 =	sadd.s32 @!p1 s9, s22  }
0xa5: {  	[tilespmem:s30], [sflag:s26] =	stream.linear.gather @!p1 [hbm4b:s22+s0], $0x1220, $0x38;
	[tilespmem:$0xBCE0] =	vst v63  }
0xa6: {  	s22 =	spop @!p1 (v2sf)  }
0xa7: {  	s30 =	spop @!p1 (v2sf)  }
0xa8: {  	s22 =	sadd.s32 @!p1 s30, s22  }
0xa9: {  	s22 =	sshrl.u32 @!p1 s22, $0x3  }
0xaa: {  	s18 =	sadd.s32 @!p1 $0x3E00, s18;
	s22 =	sadd.s32 @!p1 s9, s22  }
0xab: {  	[tilespmem:s18], [sflag:s26] =	stream.linear.gather @!p1 [hbm4b:s22+s0], $0x1220, $0x38;
	[tilespmem:$0xBCE0] =	vst v63  }
0xac: {  	s26 =	sadd.s32 $0x1, s11  }
0xad: {  	_ =	swait.ge [sflag:s26], $0x1220  }
0xae: {  	v27 =	vmov s4;
	s4 =	simm.s32 $0x1;
	[sflag:s26] =	ssyncset.done $0x0  }
0xaf: {  	s30 =	sand.u32 $0x2, s21;
	s21 =	simm.f32 $0.0e+00;
	[sflag:s26] =	ssyncadd.s32 $0xFFFFEDE0  }
0xb0: {  	p4 =	seq.s32 s30, $0x0;
	s9 =	smul.u32 $0x74, s11;
	_ =	swait.ge [sflag:s26], $0x1220  }
0xb1: {  	p1 =	slt.u32 s17, $0x2;
	s22 =	sand.u32 $0x2, s25;
	[sflag:s26] =	ssyncset.done $0x0  }
0xb2: {  	s25 =	sand.u32 $0x2, s28;
	s18 =	simm.f32 $0.0e+00;
	[sflag:s26] =	ssyncadd.s32 $0xFFFFEDE0  }
0xb3: {  	p2 =	seq.s32 @!p1 s6, $0xF;
	p5 =	seq.s32 s22, $0x0;
	_ =	swait.ge [sflag:s26], $0x1220  }
0xb4: {  	p6 =	seq.s32 s25, $0x0;
	s30 =	sadd.s32 $0x3A, s9;
	[sflag:s26] =	ssyncset.done $0x0  }
0xb5: {  	s16 =	sadd.s32 s9, s16;
	s17 =	sadd.s32 $0x57, s9;
	[sflag:s26] =	ssyncadd.s32 $0xFFFFEDE0  }
0xb6: {  	s22 =	sadd.s32 $0x16, s14;
	s25 =	sadd.s32 $0xC, s15;
	_ =	swait.ge [sflag:s26], $0x1220  }
0xb7: {  	p3 =	por p2, p1;
	s18 =	simm.s32 @!p5 $0x3F800000;
	v8 =	vmov s16;
	s16 =	sadd.s32 $0x10, s12;
	v59 =	vld [tilespmem:$0x1FFB0]  }
0xb8: {  	v26 =	vmov s3;
	p3 =	sne.s32 @!p3 s6, $0x1D;
	s6 =	simm.f32 $0.0e+00;
	[sflag:s26] =	ssyncset.done $0x0  }
0xb9: {  	v62 =	vlaneseq.u32;
	v28 =	vcvt.s32.f32 v26;
	s6 =	simm.s32 @!p4 $0x3F800000;
	[sflag:s26] =	ssyncadd.s32 $0xFFFFEDE0;
	s26 =	sadd.s32 $0x1D, s9  }
0xba: {  	v12 =	vadd.s32 s12, v62;
	v30 =	vcvt.s32.f32 v27;
	v26 =	vmov s7;
	p4 =	por !p2, p1;
	p2 =	por @!p1 p3, p2;
	s28 =	sadd.s32 s23, s26  }
0xbb: {  	v27 =	vbroadcast v28, $0x0;
	v31 =	vcvt.s32.f32 v26;
	v2 =	vld [tilespmem:$0x1FFC0];
	s9 =	sadd.s32 s29, s17;
	s29 =	sadd.s32 $0x2, s31;
	v7 =	vmov s28;
	s28 =	sadd.s32 $0xFFFFFFF2, s31  }
0xbc: {  	v63 =	vmov s5;
	v28 =	vbroadcast v30, $0x0;
	v61 =	vld [tilespmem:$0x1FFD0];
	v0 =	vmul.f32 s6, v59;
	s6 =	sadd.s32 s24, s30;
	s30 =	sadd.s32 $0x12, s31;
	s31 =	sshrl.u32 s13, $0x1F  }
0xbd: {  	v31 =	vbroadcast v31, $0x0;
	v16 =	vadd.s32 s22, v62;
	v19 =	vadd.s32 s25, v62;
	p1 =	por p2, p1;
	s17 =	sadd.s32 $0x20, s12;
	s0 =	sadd.s32 s31, s13  }
0xbe: {  	v60 =	vmov s18;
	v11 =	vadd.s32 s16, v62;
	s12 =	sadd.s32 @!p4 $0x3, s11;
	s23 =	sadd.s32 $0x26, s14;
	v9 =	vmov s6;
	s6 =	sand.u32 $0xFFFFFFFE, s0  }
0xbf: {  	v26 =	vsub.f32 $1.000000000e+00, v60;
	v10 =	vmov s9;
	v13 =	vadd.s32 s17, v62;
	s26 =	sadd.s32 $0x1C, s15;
	_ =	swait.ge @!p4 [sflag:s12], $0x960;
	p2 =	slt.s32 s6, $0x1  }
.Ltmp4:
0xc0: {  	s21 =	simm.s32 @!p6 $0x3F800000;
	v22 =	vadd.s32 s29, v62;
	v17 =	vadd.s32 s23, v62;
	v20 =	vadd.s32 s26, v62;
	[sflag:s12] =	ssyncset.done @!p4 $0x0;
	(pc) =	sbr.rel @p2 .LBB2_5-.Ltmp4, $4  }
0xc1: {  	s3 =	sadd.s32 @!p1 $0x3, s11;
	v21 =	vadd.s32 s28, v62;
	[sflag:s12] =	ssyncadd.s32 @!p4 $0xFFFFF6A0;
	v25 =	vmul.f32 s18, v2;
	v29 =	vmul.f32 s21, v61;
	s18 =	sadd.s32 $0xFFFFFFF6, s14  }
0xc2: {  	s21 =	sadd.s32 $0x6, s14;
	s24 =	sadd.s32 $0xFFFFFFFC, s15;
	_ =	swait.ge @!p1 [sflag:s3], $0x1220;
	v14 =	vadd.s32 s18, v62;
	v24 =	vadd.f32 $1.000000000e+00, v0;
	v0 =	vcvt.s32.f32 v63  }
0xc3: {  	s4 =	simm.s32 @!p0 $0x0;
	v15 =	vadd.s32 s21, v62;
	v18 =	vadd.s32 s24, v62;
	v23 =	vadd.s32 s30, v62;
	[sflag:s3] =	ssyncset.done @!p1 $0x0  }
0xc4: {  	s5 =	smov.u32 s2;
	s7 =	smul.u32 $0x4880, s4;
	v25 =	vadd.f32 $1.000000000e+00, v25;
	[sflag:s3] =	ssyncadd.s32 @!p1 $0xFFFFEDE0;
	v29 =	vadd.f32 $1.000000000e+00, v29;
	v30 =	vbroadcast v0, $0x0  }
0xc5: {  	s16 =	simm.s32 $0x1  }
0xc6: {  	v0 =	vadd.s32 s16, v8  }
0xc7: {  	s14 =	simm.s32 $0x0;
	v0 =	vmul.u32 $0xA0, v0  }
0xc8: {  	v1 =	vadd.s32 s14, v8  }
0xc9: {  	v1 =	vmul.u32 $0xA0, v1;
	v32 =	vadd.s32 v12, v0;
	_ =	sdelay $0x1  }
0xca: {  	v33 =	vadd.s32 v12, v1  }
0xcb: {  	v34 =	vmov s16  }
0xcc: {  	v46 =	vcvt.s32.f32 v34  }
0xcd: {  	v58 =	vmov s14;
	v32 =	vld.idx.msk [tilespmem:v32+s8+$0x0], $0xffff  }
0xce: {  	v45 =	vcvt.s32.f32 v58;
	v59 =	vsub.f32 v27, v46  }
0xcf: {  	v33 =	vld.idx.msk [tilespmem:v33+s8+$0x0], $0xffff  }
0xd0: {  	v35 =	vsub.f32 v27, v45;
	v36 =	vadd.s32 v11, v0;
	v34 =	vmax.f32 v59, $0.0e+00  }
0xd1: {  	v51 =	vmin.f32 v34, $1.000000000e+00  }
0xd2: {  	s0 =	sshrl.u32 s7, $0x2;
	v60 =	vadd.s32 v11, v1;
	v35 =	vmax.f32 v35, $0.0e+00;
	v32 =	vmul.f32 v32, v51  }
0xd3: {  	s2 =	sadd.s32 $0x9940, s0;
	v48 =	vmin.f32 v35, $1.000000000e+00  }
0xd4: {  	v33 =	vmul.f32 v33, v48;
	[tilespmem:s2+$0x0] =	vst v32  }
0xd5: {  	v61 =	vld.idx.msk [tilespmem:v36+s8+$0x0], $0xffff  }
0xd6: {  	[tilespmem:s2+$0xFFFFFF60] =	vst v33  }
0xd7: {  	p3 =	sgt.s32 s6, $0x2;
	v34 =	vld.idx.msk [tilespmem:v60+s8+$0x0], $0xffff  }
.Ltmp5:
0xd8: {  	_ = 	snop;
	(pc) =	sbr.rel @!p3 .LBB2_4-.Ltmp5, $4  }
0xd9: {  	v62 =	vadd.s32 s16, v7;
	v63 =	vadd.s32 s14, v7  }
0xda: {  	v32 =	vmul.u32 $0xA0, v62;
	v33 =	vmul.u32 $0xA0, v63;
	v35 =	vmul.f32 v61, v51  }
0xdb: {  	v47 =	vadd.s32 s14, v9;
	v62 =	vadd.s32 v13, v0;
	v63 =	vadd.s32 v13, v1  }
0xdc: {  	s17 =	simm.s32 $0x2;
	p1 =	por $0x0, $0x0;
	p2 =	por $0x0, $0x0;
	v60 =	vadd.s32 v14, v32;
	v61 =	vadd.s32 v14, v33;
	v1 =	vmul.f32 v34, v48;
	[tilespmem:s2+$0x10] =	vst v35  }
0xdd: {  	_ =	sdelay $0x3  }
0xde: {  	v0 =	vld.idx.msk [tilespmem:v62+s8+$0x0], $0xffff  }
0xdf: {  	[tilespmem:s2+$0xFFFFFF70] =	vst v1;
	v1 =	vld.idx.msk [tilespmem:v60+s8+$0x0], $0xffff  }
0xe0: {  	v35 =	vsub.f32 v28, v46;
	v34 =	vld.idx.msk [tilespmem:v63+s8+$0x0], $0xffff;
	_ =	sdelay $0x1  }
0xe1: {  	v36 =	vld.idx.msk [tilespmem:v61+s8+$0x0], $0xffff;
	v35 =	vmax.f32 v35, $0.0e+00  }
0xe2: {  	v37 =	vsub.f32 v28, v45;
	v35 =	vmin.f32 v35, $1.000000000e+00;
	v0 =	vmul.f32 v0, v51  }
0xe3: {  	v1 =	vmul.f32 v1, v35  }
0xe4: {  	v37 =	vmax.f32 v37, $0.0e+00;
	v0 =	vmul.f32 v0, v24;
	v38 =	vmul.f32 v34, v48  }
0xe5: {  	v34 =	vmin.f32 v37, $1.000000000e+00  }
0xe6: {  	v36 =	vmul.f32 v36, v34;
	v0 =	vsub.f32 v0, v1;
	v55 =	vmul.f32 v38, v24;
	_ =	sdelay $0x1  }
0xe7: {  	v56 =	vadd.s32 v15, v32;
	v0 =	vmul.f32 v54, v0;
	v37 =	vsub.f32 v55, v36  }
0xe8: {  	s12 =	simm.s32 $0x3;
	v39 =	vadd.s32 v15, v33  }
0xe9: {  	v0 =	vadd.f32 v0, v1;
	v1 =	vadd.s32 s12, v8;
	v37 =	vmul.f32 v54, v37  }
0xea: {  	v1 =	vmul.u32 $0xA0, v1  }
0xeb: {  	v40 =	vadd.s32 s17, v8;
	[tilespmem:s2+$0x20] =	vst v0;
	v0 =	vadd.f32 v37, v36  }
0xec: {  	v37 =	vmul.u32 $0xA0, v40;
	v57 =	vld.idx.msk [tilespmem:v56+s8+$0x0], $0xffff;
	v58 =	vadd.s32 v12, v1  }
0xed: {  	[tilespmem:s2+$0xFFFFFF80] =	vst v0  }
0xee: {  	v0 =	vadd.s32 v12, v37;
	v39 =	vld.idx.msk [tilespmem:v39+s8+$0x0], $0xffff  }
0xef: {  	v59 =	vadd.s32 v16, v32;
	v41 =	vmov s12  }
0xf0: {  	v41 =	vcvt.s32.f32 v41  }
0xf1: {  	v42 =	vmov s17;
	v43 =	vadd.s32 v16, v33;
	v38 =	vld.idx.msk [tilespmem:v58+s8+$0x0], $0xffff;
	v36 =	vmul.f32 v57, v35  }
0xf2: {  	v42 =	vcvt.s32.f32 v42;
	v44 =	vsub.f32 v27, v41  }
0xf3: {  	v0 =	vld.idx.msk [tilespmem:v0+s8+$0x0], $0xffff;
	[tilespmem:s2+$0x30] =	vst v36;
	v60 =	vmul.f32 v39, v34  }
0xf4: {  	v61 =	vsub.f32 v27, v42;
	v44 =	vmax.f32 v44, $0.0e+00;
	v49 =	vadd.s32 v11, v1;
	v40 =	vld.idx.msk [tilespmem:v59+s8+$0x0], $0xffff  }
0xf5: {  	v51 =	vmin.f32 v44, $1.000000000e+00;
	[tilespmem:s2+$0xFFFFFF90] =	vst v60  }
0xf6: {  	v62 =	vadd.s32 v11, v37;
	v39 =	vmax.f32 v61, $0.0e+00;
	v38 =	vmul.f32 v38, v51;
	v43 =	vld.idx.msk [tilespmem:v43+s8+$0x0], $0xffff  }
0xf7: {  	s4 =	sadd.s32 $0x140, s2;
	v57 =	vadd.s32 s16, v9;
	v48 =	vmin.f32 v39, $1.000000000e+00  }
0xf8: {  	v52 =	vadd.s32 v17, v33;
	v44 =	vmul.u32 $0xA0, v57;
	v0 =	vmul.f32 v0, v48;
	[tilespmem:s4+$0x0] =	vst v38  }
0xf9: {  	v63 =	vadd.s32 s12, v7;
	v59 =	vadd.s32 v17, v32;
	v38 =	vld.idx.msk [tilespmem:v49+s8+$0x0], $0xffff;
	v58 =	vmul.f32 v40, v35  }
0xfa: {  	v55 =	vmul.u32 $0xA0, v47;
	v47 =	vadd.s32 s17, v7;
	[tilespmem:s4+$0xFFFFFF60] =	vst v0;
	v0 =	vadd.s32 v18, v44  }
0xfb: {  	p3 =	sgt.s32 s6, $0x4;
	v33 =	vmul.u32 $0xA0, v47;
	v36 =	vld.idx.msk [tilespmem:v62+s8+$0x0], $0xffff;
	v39 =	vmul.f32 v58, v25;
	v43 =	vmul.f32 v43, v34  }
.Ltmp6:
0xfc: {  	v32 =	vmul.u32 $0xA0, v63;
	(pc) =	sbr.rel @!p3 .LBB2_12-.Ltmp6, $4  }
0xfd: {  	v61 =	vadd.s32 v14, v33;
	[tilespmem:s2+$0x40] =	vst v39;
	v53 =	vmul.f32 v43, v25  }
0xfe: {  	v63 =	vadd.s32 v13, v37;
	v60 =	vadd.s32 v14, v32;
	v57 =	vld.idx.msk [tilespmem:v59+s8+$0x0], $0xffff;
	v38 =	vmul.f32 v38, v51  }
0xff: {  	v50 =	vadd.s32 s14, v10;
	v49 =	vadd.s32 v18, v55;
	v62 =	vadd.s32 v13, v1;
	v58 =	vld.idx.msk [tilespmem:v0+s8+$0x0], $0xffff;
	[tilespmem:s2+$0xFFFFFFA0] =	vst v53  }
0x100: {  	s14 =	simm.s32 $0x4;
	p1 =	por $0x1, $0x1;
	v47 =	vadd.s32 s17, v9;
	v0 =	vsub.f32 v30, v46;
	v1 =	vmul.f32 v36, v48;
	[tilespmem:s4+$0x10] =	vst v38;
	v59 =	vld.idx.msk [tilespmem:v52+s8+$0x0], $0xffff  }
0x101: {  	_ =	sdelay $0x3  }
0x102: {  	v36 =	vld.idx.msk [tilespmem:v62+s8+$0x0], $0xffff;
	_ =	sdelay $0x2  }
0x103: {  	v38 =	vsub.f32 v28, v41  }
0x104: {  	v52 =	vsub.f32 v28, v42;
	v2 =	vmovc v31;
	v31 =	vmov v30;
	v35 =	vmul.f32 v57, v35  }
0x105: {  	v0 =	vmax.f32 v0, $0.0e+00;
	[tilespmem:s4+$0xFFFFFF70] =	vst v1;
	v1 =	vsub.f32 v30, v45;
	v30 =	vmovc v29;
	v36 =	vmul.f32 v36, v51  }
0x106: {  	v29 =	vmovc v28;
	v28 =	vmovc v27;
	v27 =	vmov v26;
	v0 =	vmin.f32 v0, $1.000000000e+00;
	v43 =	vmul.f32 v35, v26  }
0x107: {  	v26 =	vmovc v25;
	v25 =	vmovc v24;
	v36 =	vmul.f32 v36, v24;
	v24 =	vmov v23;
	v23 =	vmov v22  }
0x108: {  	v37 =	vld.idx.msk [tilespmem:v60+s8+$0x0], $0xffff;
	v22 =	vmovc v21;
	v21 =	vmovc v20;
	v20 =	vmov v19;
	v19 =	vmov v18;
	v18 =	vmov v17  }
0x109: {  	v49 =	vld.idx.msk [tilespmem:v49+s8+$0x0], $0xffff;
	v17 =	vmovc v16;
	v16 =	vmovc v15;
	v15 =	vmov v14;
	v14 =	vmov v13;
	v13 =	vmov v12  }
0x10a: {  	v12 =	vmovc v11;
	v11 =	vmovc v10;
	v10 =	vmov v9;
	v9 =	vmov v7;
	v7 =	vmov v6;
	v6 =	vld [tilespmem:$0x1FFF0]  }
0x10b: {  	s15 =	simm.s32 $0x5;
	v39 =	vld.idx.msk [tilespmem:v63+s8+$0x0], $0xffff;
	v40 =	vmul.f32 v58, v0  }
0x10c: {  	v53 =	vadd.s32 s15, v8;
	v60 =	vld.idx.msk [tilespmem:v61+s8+$0x0], $0xffff;
	v61 =	vmax.f32 v52, $0.0e+00  }
0x10d: {  	v1 =	vmax.f32 v1, $0.0e+00;
	v58 =	vmax.f32 v38, $0.0e+00;
	v43 =	vsub.f32 v43, v40  }
0x10e: {  	v35 =	vmin.f32 v58, $1.000000000e+00;
	v62 =	vmul.f32 v59, v34;
	v34 =	vmin.f32 v61, $1.000000000e+00  }
0x10f: {  	v59 =	vmin.f32 v1, $1.000000000e+00;
	v37 =	vmul.f32 v37, v35;
	v43 =	vmul.f32 v6, v43  }
0x110: {  	v49 =	vmul.f32 v49, v59;
	v39 =	vmul.f32 v39, v48;
	v63 =	vadd.s32 v20, v44  }
0x111: {  	v56 =	vmul.f32 v62, v27;
	v36 =	vsub.f32 v36, v37;
	v40 =	vadd.f32 v43, v40  }
0x112: {  	v45 =	vsub.f32 v2, v45;
	v38 =	vmul.f32 v60, v34;
	v39 =	vmul.f32 v39, v25  }
0x113: {  	v57 =	vsub.f32 v56, v49;
	v36 =	vmul.f32 v54, v36;
	[tilespmem:s2+$0x50] =	vst v40;
	v40 =	vadd.s32 v16, v32  }
0x114: {  	v46 =	vsub.f32 v2, v46;
	v53 =	vmul.u32 $0xA0, v53;
	v39 =	vsub.f32 v39, v38  }
0x115: {  	v60 =	vmul.f32 v6, v57;
	v36 =	vadd.f32 v36, v37;
	v43 =	vadd.s32 v20, v55;
	v51 =	vld.idx.msk [tilespmem:v63+s8+$0x0], $0xffff  }
0x116: {  	v4 =	vmovc v54;
	v52 =	vmul.u32 $0xA0, v47;
	v39 =	vmul.f32 v54, v39;
	v54 =	vadd.s32 v16, v33  }
0x117: {  	v58 =	vadd.s32 s14, v8;
	v61 =	vadd.s32 s16, v11;
	v37 =	vadd.f32 v60, v49;
	[tilespmem:s4+$0x20] =	vst v36  }
0x118: {  	v62 =	vadd.s32 v21, v44;
	v38 =	vadd.f32 v39, v38;
	v39 =	vmul.u32 $0xA0, v61;
	v40 =	vld.idx.msk [tilespmem:v40+s8+$0x0], $0xffff  }
0x119: {  	v48 =	vmov s14;
	v56 =	vmul.u32 $0xA0, v58;
	[tilespmem:s2+$0xFFFFFFB0] =	vst v37;
	v63 =	vadd.s32 v13, v53  }
0x11a: {  	v36 =	vmul.u32 $0xA0, v50;
	[tilespmem:s4+$0xFFFFFF80] =	vst v38;
	v50 =	vadd.s32 v22, v39;
	v43 =	vld.idx.msk [tilespmem:v43+s8+$0x0], $0xffff;
	v60 =	vmul.f32 v51, v0  }
0x11b: {  	v61 =	vmov s15;
	v37 =	vcvt.s32.f32 v48;
	v48 =	vadd.s32 v13, v56;
	v51 =	vld.idx.msk [tilespmem:v54+s8+$0x0], $0xffff  }
0x11c: {  	v45 =	vmax.f32 v45, $0.0e+00;
	v38 =	vcvt.s32.f32 v61;
	v54 =	vadd.s32 v17, v32;
	[tilespmem:s2+$0x60] =	vst v60  }
0x11d: {  	v3 =	vadd.s32 v18, v33;
	v47 =	vadd.s32 v17, v33;
	v44 =	vld.idx.msk [tilespmem:v62+s8+$0x0], $0xffff;
	v33 =	vmul.f32 v40, v35  }
0x11e: {  	v55 =	vadd.s32 v21, v55;
	v58 =	vadd.s32 v22, v36;
	v57 =	vld.idx.msk [tilespmem:v63+s8+$0x0], $0xffff;
	v62 =	vsub.f32 v28, v38  }
0x11f: {  	v61 =	vadd.s32 s14, v9;
	v60 =	vadd.s32 v12, v56;
	v50 =	vld.idx.msk [tilespmem:v50+s8+$0x0], $0xffff;
	v40 =	vsub.f32 v28, v37;
	[tilespmem:s4+$0x30] =	vst v33  }
0x120: {  	v63 =	vld.idx.msk [tilespmem:v48+s8+$0x0], $0xffff;
	v43 =	vmul.f32 v43, v59;
	v48 =	vmul.f32 v51, v34;
	v51 =	vmax.f32 v62, $0.0e+00;
	[tilespmem:$0x1FFA0] =	vst v2  }
0x121: {  	v62 =	vmax.f32 v46, $0.0e+00;
	v33 =	vmul.u32 $0xA0, v61;
	v40 =	vmax.f32 v40, $0.0e+00;
	v54 =	vld.idx.msk [tilespmem:v54+s8+$0x0], $0xffff  }
0x122: {  	v61 =	vadd.s32 v12, v53;
	v51 =	vmin.f32 v51, $1.000000000e+00;
	[tilespmem:s2+$0xFFFFFFC0] =	vst v43;
	v0 =	vmul.f32 v44, v0  }
0x123: {  	[tilespmem:s4+$0xFFFFFF90] =	vst v48;
	v48 =	vmin.f32 v40, $1.000000000e+00;
	v40 =	vmul.f32 v57, v51;
	v43 =	vmin.f32 v62, $1.000000000e+00;
	v46 =	vld.idx.msk [tilespmem:v55+s8+$0x0], $0xffff  }
0x124: {  	v62 =	vadd.s32 s12, v10;
	v47 =	vld.idx.msk [tilespmem:v47+s8+$0x0], $0xffff;
	v50 =	vmul.f32 v50, v43;
	v0 =	vmul.f32 v0, v30  }
0x125: {  	s3 =	sadd.s32 $0x140, s4;
	v49 =	vadd.s32 v19, v52;
	v55 =	vld.idx.msk [tilespmem:v58+s8+$0x0], $0xffff;
	v57 =	vmul.f32 v63, v48;
	v44 =	vmul.u32 $0xA0, v62  }
0x126: {  	v58 =	vadd.s32 v18, v32;
	[tilespmem:s3+$0x0] =	vst v40;
	v0 =	vsub.f32 v0, v50;
	v54 =	vmul.f32 v54, v35  }
0x127: {  	v5 =	vadd.s32 v23, v39;
	v63 =	vadd.s32 s15, v9;
	v61 =	vld.idx.msk [tilespmem:v61+s8+$0x0], $0xffff;
	v2 =	vadd.s32 v19, v44;
	[tilespmem:s3+$0xFFFFFF60] =	vst v57  }
0x128: {  	v62 =	vadd.s32 v14, v53;
	v1 =	vld.idx.msk [tilespmem:v60+s8+$0x0], $0xffff;
	v0 =	vmul.f32 v7, v0;
	v57 =	vmul.f32 v54, v26  }
0x129: {  	p3 =	sgt.s32 s6, $0x6;
	v40 =	vmin.f32 v45, $1.000000000e+00;
	v32 =	vmul.u32 $0xA0, v63;
	v47 =	vmul.f32 v47, v34  }
.Ltmp7:
0x12a: {  	v63 =	vadd.s32 v14, v56;
	v46 =	vmul.f32 v46, v59;
	v0 =	vadd.f32 v0, v50;
	[tilespmem:s4+$0x40] =	vst v57;
	(pc) =	sbr.rel @!p3 .LBB2_14-.Ltmp7, $4  }
0x12b: {  	v60 =	vadd.s32 v15, v32;
	v54 =	vmul.f32 v55, v40;
	v45 =	vmul.f32 v47, v26;
	v57 =	vld.idx.msk [tilespmem:v58+s8+$0x0], $0xffff  }
0x12c: {  	v46 =	vmul.f32 v46, v30;
	v55 =	vmul.f32 v61, v51;
	v58 =	vld.idx.msk [tilespmem:v2+s8+$0x0], $0xffff;
	[tilespmem:s2+$0x70] =	vst v0  }
0x12d: {  	v61 =	vadd.s32 v15, v33;
	v50 =	vadd.s32 s17, v11;
	v1 =	vmul.f32 v1, v48;
	[tilespmem:s4+$0xFFFFFFA0] =	vst v45;
	v53 =	vld.idx.msk [tilespmem:v5+s8+$0x0], $0xffff  }
0x12e: {  	p2 =	por $0x1, $0x1;
	s16 =	simm.s32 $0x6;
	v47 =	vadd.s32 s14, v10;
	v56 =	vsub.f32 v46, v54;
	[tilespmem:s3+$0x10] =	vst v55;
	v0 =	vsub.f32 v31, v41;
	v59 =	vld.idx.msk [tilespmem:v3+s8+$0x0], $0xffff  }
.LBB2_15:
0x12f: {  	_ = 	snop  }
0x130: {  	v5 =	vld.idx.msk [tilespmem:v62+s8+$0x0], $0xffff;
	v55 =	vadd.s32 v23, v36;
	v39 =	vadd.s32 v24, v39;
	v46 =	vmul.f32 v7, v56  }
0x131: {  	v56 =	vsub.f32 v29, v37;
	[tilespmem:s3+$0xFFFFFF70] =	vst v1;
	v1 =	vld.idx.msk [tilespmem:v60+s8+$0x0], $0xffff;
	v60 =	vsub.f32 v31, v42;
	v0 =	vmax.f32 v0, $0.0e+00  }
0x132: {  	v45 =	vmin.f32 v0, $1.000000000e+00;
	v0 =	vmul.f32 v57, v35;
	v57 =	vld.idx.msk [tilespmem:v61+s8+$0x0], $0xffff;
	v61 =	vsub.f32 v29, v38  }
0x133: {  	v62 =	vld.idx.msk [tilespmem:v63+s8+$0x0], $0xffff;
	v58 =	vmul.f32 v58, v45;
	v46 =	vadd.f32 v46, v54;
	v63 =	vmax.f32 v60, $0.0e+00  }
0x134: {  	v56 =	vmax.f32 v56, $0.0e+00;
	v53 =	vmul.f32 v53, v43;
	v59 =	vmul.f32 v59, v34  }
0x135: {  	v49 =	vld.idx.msk [tilespmem:v49+s8+$0x0], $0xffff;
	v34 =	vmin.f32 v56, $1.000000000e+00;
	v0 =	vmul.f32 v0, v27;
	v35 =	vmax.f32 v61, $0.0e+00  }
0x136: {  	[tilespmem:s2+$0xFFFFFFD0] =	vst v46;
	v5 =	vmul.f32 v5, v51;
	v61 =	vadd.s32 v20, v44;
	v46 =	vmin.f32 v63, $1.000000000e+00  }
0x137: {  	v35 =	vmin.f32 v35, $1.000000000e+00;
	v60 =	vmul.f32 v59, v27;
	v0 =	vsub.f32 v0, v58  }
0x138: {  	v63 =	vadd.s32 s16, v8;
	v51 =	vld.idx.msk [tilespmem:v55+s8+$0x0], $0xffff;
	[tilespmem:s2+$0x80] =	vst v53;
	v1 =	vmul.f32 v1, v35;
	v5 =	vmul.f32 v5, v25  }
0x139: {  	v59 =	vadd.s32 v16, v32;
	v39 =	vld.idx.msk [tilespmem:v39+s8+$0x0], $0xffff;
	v48 =	vmul.f32 v62, v48;
	v0 =	vmul.f32 v6, v0  }
0x13a: {  	v49 =	vmul.f32 v49, v46;
	v62 =	vadd.s32 v21, v44;
	v5 =	vsub.f32 v5, v1  }
0x13b: {  	s17 =	smov.u32 s16;
	v56 =	vmul.f32 v57, v34;
	v48 =	vmul.f32 v48, v25;
	v0 =	vadd.f32 v0, v58  }
0x13c: {  	s0 =	sadd.s32 $0x1, s17;
	v57 =	vadd.s32 v24, v36;
	v53 =	vsub.f32 v60, v49;
	v5 =	vmul.f32 v4, v5  }
0x13d: {  	v60 =	vadd.s32 s0, v8;
	v51 =	vmul.f32 v51, v40;
	[tilespmem:s4+$0x50] =	vst v0;
	v0 =	vsub.f32 v48, v56  }
0x13e: {  	v39 =	vmul.f32 v39, v43;
	v1 =	vadd.f32 v5, v1;
	v5 =	vmul.f32 v6, v53;
	v48 =	vld.idx.msk [tilespmem:v61+s8+$0x0], $0xffff  }
0x13f: {  	v3 =	vld [tilespmem:$0x1FFA0];
	v43 =	vadd.s32 v20, v52;
	v53 =	vmul.u32 $0xA0, v60;
	[tilespmem:s2+$0xFFFFFFE0] =	vst v51;
	v0 =	vmul.f32 v4, v0  }
0x140: {  	v61 =	vadd.s32 v16, v33;
	[tilespmem:s3+$0x20] =	vst v1;
	v1 =	vadd.f32 v5, v49;
	v5 =	vadd.s32 s12, v11  }
0x141: {  	[tilespmem:s2+$0x90] =	vst v39;
	v39 =	vmul.u32 $0xA0, v5;
	v5 =	vmul.u32 $0xA0, v63;
	v0 =	vadd.f32 v0, v56  }
0x142: {  	v63 =	vadd.s32 v13, v53;
	v56 =	vld.idx.msk [tilespmem:v59+s8+$0x0], $0xffff;
	[tilespmem:s4+$0xFFFFFFB0] =	vst v1  }
0x143: {  	v36 =	vmul.u32 $0xA0, v50;
	v1 =	vld.idx.msk [tilespmem:v57+s8+$0x0], $0xffff;
	v50 =	vadd.s32 v13, v5;
	[tilespmem:s3+$0xFFFFFF80] =	vst v0;
	v60 =	vmul.f32 v48, v45  }
0x144: {  	v2 =	vmov s16;
	v55 =	vsub.f32 v3, v42;
	v42 =	vmovc v37;
	v48 =	vadd.s32 v22, v39;
	v43 =	vld.idx.msk [tilespmem:v43+s8+$0x0], $0xffff  }
0x145: {  	v37 =	vcvt.s32.f32 v2;
	v2 =	vadd.s32 v17, v32;
	v58 =	vadd.s32 v22, v36;
	v54 =	vld.idx.msk [tilespmem:v61+s8+$0x0], $0xffff;
	[tilespmem:s4+$0x60] =	vst v60  }
0x146: {  	s12 =	smov.u32 s15;
	s15 =	smov.u32 s0;
	v59 =	vadd.s32 v18, v33;
	v57 =	vadd.s32 v21, v52;
	v0 =	vmul.u32 $0xA0, v47;
	v44 =	vld.idx.msk [tilespmem:v62+s8+$0x0], $0xffff  }
0x147: {  	v61 =	vmov s15;
	v60 =	vadd.s32 v17, v33;
	v47 =	vld.idx.msk [tilespmem:v63+s8+$0x0], $0xffff;
	v33 =	vmul.f32 v56, v35  }
0x148: {  	v49 =	vadd.s32 v19, v0;
	v52 =	vmovc v0;
	v0 =	vcvt.s32.f32 v61;
	v1 =	vmul.f32 v1, v40;
	v50 =	vld.idx.msk [tilespmem:v50+s8+$0x0], $0xffff  }
0x149: {  	v51 =	vsub.f32 v28, v37;
	v61 =	vld.idx.msk [tilespmem:v48+s8+$0x0], $0xffff;
	[tilespmem:s3+$0x30] =	vst v33;
	v43 =	vmul.f32 v43, v46  }
0x14a: {  	v62 =	vadd.s32 s17, v9;
	v63 =	vsub.f32 v28, v0;
	v40 =	vmul.f32 v54, v34;
	[tilespmem:s2+$0xFFFFFFF0] =	vst v1;
	s2 =	smov.u32 s4  }
0x14b: {  	v56 =	vadd.s32 v12, v5;
	v33 =	vmul.u32 $0xA0, v62;
	v62 =	vadd.s32 v12, v53;
	[tilespmem:s2+$0xFFFFFFC0] =	vst v43  }
0x14c: {  	v2 =	vld.idx.msk [tilespmem:v2+s8+$0x0], $0xffff;
	v54 =	vsub.f32 v3, v41;
	v1 =	vmax.f32 v51, $0.0e+00;
	v48 =	vmax.f32 v63, $0.0e+00;
	[tilespmem:s3+$0xFFFFFF90] =	vst v40  }
0x14d: {  	v41 =	vmovc v38;
	v38 =	vmovc v0;
	v51 =	vmin.f32 v48, $1.000000000e+00;
	v48 =	vmin.f32 v1, $1.000000000e+00;
	v44 =	vmul.f32 v44, v45;
	v0 =	vld.idx.msk [tilespmem:v57+s8+$0x0], $0xffff  }
0x14e: {  	v1 =	vmul.f32 v47, v51;
	v50 =	vmul.f32 v50, v48;
	v57 =	vmax.f32 v54, $0.0e+00;
	v45 =	vld.idx.msk [tilespmem:v60+s8+$0x0], $0xffff  }
0x14f: {  	s4 =	smov.u32 s3;
	s3 =	sadd.s32 $0x140, s3;
	v60 =	vadd.s32 s12, v10;
	v63 =	vmul.f32 v44, v30;
	v43 =	vmin.f32 v57, $1.000000000e+00  }
0x150: {  	[tilespmem:s3+$0x0] =	vst v1;
	v1 =	vmax.f32 v55, $0.0e+00;
	v44 =	vmul.u32 $0xA0, v60;
	v57 =	vmul.f32 v61, v43  }
0x151: {  	v47 =	vld.idx.msk [tilespmem:v58+s8+$0x0], $0xffff;
	v58 =	vadd.s32 v18, v32;
	v2 =	vmul.f32 v2, v35;
	[tilespmem:s3+$0xFFFFFF60] =	vst v50;
	v50 =	vadd.s32 s15, v9  }
0x152: {  	v55 =	vld.idx.msk [tilespmem:v62+s8+$0x0], $0xffff;
	v40 =	vmin.f32 v1, $1.000000000e+00;
	v61 =	vadd.s32 v19, v44;
	v54 =	vsub.f32 v63, v57  }
0x153: {  	s16 =	sadd.s32 $0x2, s16;
	v1 =	vld.idx.msk [tilespmem:v56+s8+$0x0], $0xffff;
	v32 =	vmul.u32 $0xA0, v50;
	v2 =	vmul.f32 v2, v26;
	v45 =	vmul.f32 v45, v34  }
0x154: {  	p3 =	slt.s32 s16, s6;
	v3 =	vadd.s32 v23, v39;
	v62 =	vadd.s32 v14, v53;
	v56 =	vmul.f32 v7, v54  }
.Ltmp8:
0x155: {  	v60 =	vadd.s32 v15, v32;
	v0 =	vmul.f32 v0, v46;
	[tilespmem:s4+$0x40] =	vst v2;
	v45 =	vmul.f32 v45, v26;
	(pc) =	sbr.rel @p3 .LBB2_15-.Ltmp8, $4  }
0x156: {  	v63 =	vadd.s32 v14, v5;
	v54 =	vmul.f32 v47, v40;
	v2 =	vadd.f32 v56, v57;
	v57 =	vld.idx.msk [tilespmem:v58+s8+$0x0], $0xffff  }
0x157: {  	v5 =	vmul.f32 v55, v51;
	v0 =	vmul.f32 v0, v30;
	v58 =	vld.idx.msk [tilespmem:v61+s8+$0x0], $0xffff;
	[tilespmem:s4+$0xFFFFFFA0] =	vst v45  }
0x158: {  	v50 =	vadd.s32 s14, v11;
	s14 =	smov.u32 s17;
	v1 =	vmul.f32 v1, v48;
	v61 =	vadd.s32 v15, v33;
	[tilespmem:s2+$0x70] =	vst v2;
	v59 =	vld.idx.msk [tilespmem:v59+s8+$0x0], $0xffff  }
0x159: {  	v47 =	vadd.s32 s14, v10;
	v56 =	vsub.f32 v0, v54;
	v0 =	vsub.f32 v31, v41;
	v53 =	vld.idx.msk [tilespmem:v3+s8+$0x0], $0xffff;
	[tilespmem:s3+$0x10] =	vst v5  }
0x15a: {  	v45 =	vmov v42;
	v55 =	vmov v52  }
0x15b: {  	v46 =	vmovc v41;
	v6 =	vmovc v7;
	v7 =	vmov v9;
	v9 =	vmov v10;
	v10 =	vmov v11  }
0x15c: {  	v11 =	vmovc v12;
	v12 =	vmovc v13;
	v13 =	vmov v14;
	v14 =	vmov v15;
	v15 =	vmov v16  }
0x15d: {  	v16 =	vmovc v17;
	v17 =	vmovc v18;
	v18 =	vmov v19;
	v19 =	vmov v20;
	v20 =	vmov v21  }
0x15e: {  	v21 =	vmovc v22;
	v22 =	vmovc v23;
	v23 =	vmov v24;
	v24 =	vmov v25;
	v25 =	vmov v26  }
0x15f: {  	s17 =	smov.u32 s2;
	s2 =	smov.u32 s4;
	s16 =	smov.u32 s15;
	v26 =	vmovc v27;
	v27 =	vmovc v28;
	v28 =	vmov v29;
	v29 =	vmov v30;
	v30 =	vmov v31;
	v31 =	vld [tilespmem:$0x1FFA0]  }
.LBB2_17:
0x160: {  	_ =	sdelay $0x2  }
0x161: {  	[tilespmem:s3+$0xFFFFFF70] =	vst v1  }
0x162: {  	v1 =	vld.idx.msk [tilespmem:v63+s8+$0x0], $0xffff  }
0x163: {  	v2 =	vld.idx.msk [tilespmem:v62+s8+$0x0], $0xffff  }
0x164: {  	v5 =	vld.idx.msk [tilespmem:v61+s8+$0x0], $0xffff  }
0x165: {  	v3 =	vld.idx.msk [tilespmem:v60+s8+$0x0], $0xffff;
	v42 =	vsub.f32 v28, v37  }
0x166: {  	v41 =	vsub.f32 v28, v38  }
0x167: {  	v42 =	vmax.f32 v42, $0.0e+00;
	v1 =	vmul.f32 v1, v48  }
0x168: {  	v4 =	vld [tilespmem:$0x1FFE0];
	v41 =	vmax.f32 v41, $0.0e+00;
	v42 =	vmin.f32 v42, $1.000000000e+00;
	v2 =	vmul.f32 v2, v51  }
0x169: {  	v41 =	vmin.f32 v41, $1.000000000e+00;
	v5 =	vmul.f32 v5, v42;
	v1 =	vmul.f32 v1, v24  }
0x16a: {  	v3 =	vmul.f32 v3, v41;
	v2 =	vmul.f32 v2, v24  }
0x16b: {  	v1 =	vsub.f32 v1, v5  }
0x16c: {  	v2 =	vsub.f32 v2, v3  }
0x16d: {  	v63 =	vadd.s32 v15, v33;
	v1 =	vmul.f32 v4, v1  }
0x16e: {  	v62 =	vadd.s32 v15, v32;
	v2 =	vmul.f32 v4, v2  }
0x16f: {  	v1 =	vadd.f32 v1, v5  }
0x170: {  	v2 =	vadd.f32 v2, v3  }
0x171: {  	[tilespmem:s3+$0xFFFFFF80] =	vst v1  }
0x172: {  	[tilespmem:s3+$0x20] =	vst v2;
	v1 =	vld.idx.msk [tilespmem:v63+s8+$0x0], $0xffff  }
0x173: {  	v2 =	vld.idx.msk [tilespmem:v62+s8+$0x0], $0xffff;
	_ =	sdelay $0x1  }
0x174: {  	v5 =	vadd.s32 v16, v33  }
0x175: {  	v51 =	vadd.s32 v16, v32  }
0x176: {  	v1 =	vmul.f32 v1, v42  }
0x177: {  	v2 =	vmul.f32 v2, v41  }
0x178: {  	[tilespmem:s3+$0xFFFFFF90] =	vst v1  }
0x179: {  	[tilespmem:s3+$0x30] =	vst v2;
	v1 =	vld.idx.msk [tilespmem:v5+s8+$0x0], $0xffff  }
0x17a: {  	v2 =	vld.idx.msk [tilespmem:v51+s8+$0x0], $0xffff;
	_ =	sdelay $0x1  }
0x17b: {  	v0 =	vmax.f32 @p1 v0, $0.0e+00  }
0x17c: {  	v0 =	vmin.f32 @p1 v0, $1.000000000e+00;
	v5 =	vmul.f32 @p1 v57, v35  }
0x17d: {  	v35 =	vmul.f32 @p1 v58, v0;
	v58 =	vadd.s32 v17, v33;
	v1 =	vmul.f32 v1, v42  }
0x17e: {  	v2 =	vmul.f32 v2, v41  }
0x17f: {  	v1 =	vmul.f32 v1, v25  }
0x180: {  	v2 =	vmul.f32 v2, v25  }
0x181: {  	v52 =	vadd.s32 s16, v9;
	v49 =	vld.idx.msk @p1 [tilespmem:v49+s8+$0x0], $0xffff;
	v47 =	vmul.u32 $0xA0, v47;
	[tilespmem:s3+$0xFFFFFFA0] =	vst v1  }
0x182: {  	v48 =	vmul.u32 $0xA0, v52;
	v57 =	vadd.s32 v17, v32;
	[tilespmem:s3+$0x40] =	vst v2;
	v1 =	vld.idx.msk [tilespmem:v58+s8+$0x0], $0xffff  }
0x183: {  	v52 =	vadd.s32 v18, v47;
	v58 =	vld [tilespmem:$0x1FFF0]  }
0x184: {  	v60 =	vadd.s32 v18, v48;
	v3 =	vsub.f32 @p1 v30, v45;
	v5 =	vmul.f32 @p1 v5, v26  }
0x185: {  	v34 =	vmul.f32 @p1 v59, v34  }
0x186: {  	v3 =	vmax.f32 @p1 v3, $0.0e+00;
	v5 =	vsub.f32 @p1 v5, v35  }
0x187: {  	v3 =	vmin.f32 @p1 v3, $1.000000000e+00;
	v62 =	vsub.f32 v30, v38;
	v2 =	vmul.f32 @p1 v34, v26;
	v32 =	vld.idx.msk [tilespmem:v57+s8+$0x0], $0xffff  }
0x188: {  	v33 =	vadd.s32 @p1 v19, v44;
	v34 =	vmul.f32 @p1 v49, v3;
	v52 =	vld.idx.msk [tilespmem:v52+s8+$0x0], $0xffff;
	v5 =	vmul.f32 @p1 v58, v5  }
0x189: {  	v63 =	vsub.f32 v30, v37;
	v61 =	vld.idx.msk [tilespmem:v60+s8+$0x0], $0xffff  }
0x18a: {  	v51 =	vmax.f32 v62, $0.0e+00;
	v2 =	vsub.f32 @p1 v2, v34;
	v5 =	vadd.f32 @p1 v5, v35  }
0x18b: {  	v57 =	vadd.s32 @p1 v19, v55;
	v1 =	vmul.f32 v1, v42;
	v35 =	vmax.f32 v63, $0.0e+00  }
0x18c: {  	v32 =	vmul.f32 v32, v41;
	v2 =	vmul.f32 @p1 v58, v2;
	v35 =	vmin.f32 v35, $1.000000000e+00;
	[tilespmem:s2+$0x50] =	vst @p1 v5  }
0x18d: {  	v1 =	vmul.f32 v1, v26;
	v5 =	vmin.f32 v51, $1.000000000e+00;
	v60 =	vmul.f32 v52, v35;
	v33 =	vld.idx.msk @p1 [tilespmem:v33+s8+$0x0], $0xffff  }
0x18e: {  	v32 =	vmul.f32 v32, v26;
	v59 =	vmul.f32 v61, v5  }
0x18f: {  	v2 =	vadd.f32 @p1 v2, v34;
	v1 =	vsub.f32 v1, v60  }
0x190: {  	v32 =	vsub.f32 v32, v59  }
0x191: {  	v62 =	vadd.s32 v19, v48;
	v63 =	vadd.s32 v19, v47;
	[tilespmem:s2+$0xFFFFFFB0] =	vst @p1 v2;
	v1 =	vmul.f32 v58, v1  }
0x192: {  	v34 =	vadd.s32 @p1 s12, v10;
	v49 =	vld.idx.msk @p1 [tilespmem:v57+s8+$0x0], $0xffff;
	v61 =	vmul.f32 v58, v32;
	v33 =	vmul.f32 @p1 v33, v0  }
0x193: {  	v44 =	vadd.s32 @p1 v20, v44;
	v34 =	vmul.u32 @p1 $0xA0, v34;
	v1 =	vadd.f32 v1, v60  }
0x194: {  	v2 =	vadd.f32 v61, v59;
	[tilespmem:s2+$0x60] =	vst @p1 v33  }
0x195: {  	v41 =	vadd.s32 @p1 v21, v34;
	[tilespmem:s3+$0xFFFFFFB0] =	vst v1  }
0x196: {  	v42 =	vadd.s32 @p1 v20, v55;
	v33 =	vmul.u32 @p1 $0xA0, v50;
	[tilespmem:s3+$0x50] =	vst v2;
	v57 =	vld.idx.msk [tilespmem:v63+s8+$0x0], $0xffff  }
0x197: {  	v32 =	vmul.f32 @p1 v49, v3;
	v2 =	vld.idx.msk [tilespmem:v62+s8+$0x0], $0xffff  }
0x198: {  	v46 =	vsub.f32 @p1 v31, v46;
	v60 =	vadd.s32 s14, v10;
	v44 =	vld.idx.msk @p1 [tilespmem:v44+s8+$0x0], $0xffff;
	v1 =	vadd.s32 @p1 v21, v33  }
0x199: {  	v47 =	vadd.s32 v20, v47;
	v59 =	vadd.s32 s16, v10;
	[tilespmem:s2+$0xFFFFFFC0] =	vst @p1 v32;
	v32 =	vmul.u32 $0xA0, v60  }
0x19a: {  	v48 =	vadd.s32 v20, v48;
	v50 =	vmul.u32 $0xA0, v59;
	v41 =	vld.idx.msk @p1 [tilespmem:v41+s8+$0x0], $0xffff  }
0x19b: {  	v46 =	vmax.f32 @p1 v46, $0.0e+00;
	v42 =	vld.idx.msk @p1 [tilespmem:v42+s8+$0x0], $0xffff;
	v62 =	vadd.s32 v21, v32;
	v49 =	vmul.f32 v57, v35  }
0x19c: {  	v45 =	vsub.f32 @p1 v31, v45;
	v61 =	vadd.s32 v21, v50;
	v2 =	vmul.f32 v2, v5  }
0x19d: {  	v46 =	vmin.f32 @p1 v46, $1.000000000e+00;
	v0 =	vmul.f32 @p1 v44, v0;
	v1 =	vld.idx.msk @p1 [tilespmem:v1+s8+$0x0], $0xffff;
	[tilespmem:s3+$0xFFFFFFC0] =	vst v49  }
0x19e: {  	v45 =	vmax.f32 @p1 v45, $0.0e+00;
	v52 =	vmul.f32 @p2 v6, v56;
	v60 =	vsub.f32 v31, v38;
	[tilespmem:s3+$0x60] =	vst v2;
	v57 =	vld.idx.msk [tilespmem:v47+s8+$0x0], $0xffff  }
0x19f: {  	v45 =	vmin.f32 @p1 v45, $1.000000000e+00;
	v0 =	vmul.f32 @p1 v0, v29;
	v2 =	vmul.f32 @p1 v41, v46;
	v63 =	vld.idx.msk [tilespmem:v48+s8+$0x0], $0xffff  }
0x1a0: {  	v51 =	vadd.s32 @p1 v22, v34;
	v38 =	vmax.f32 v60, $0.0e+00;
	v3 =	vmul.f32 @p1 v42, v3;
	v44 =	vld.idx.msk [tilespmem:v62+s8+$0x0], $0xffff  }
0x1a1: {  	v38 =	vmin.f32 v38, $1.000000000e+00;
	v59 =	vld.idx.msk [tilespmem:v61+s8+$0x0], $0xffff;
	v61 =	vsub.f32 v31, v37;
	v0 =	vsub.f32 @p1 v0, v2  }
0x1a2: {  	v3 =	vmul.f32 @p1 v3, v29;
	v48 =	vadd.s32 @p2 v22, v36;
	v1 =	vmul.f32 @p1 v1, v45  }
0x1a3: {  	v37 =	vmax.f32 v61, $0.0e+00;
	v0 =	vmul.f32 @p1 v6, v0;
	v35 =	vmul.f32 v57, v35  }
0x1a4: {  	v37 =	vmin.f32 v37, $1.000000000e+00;
	v3 =	vsub.f32 @p1 v3, v1;
	v5 =	vmul.f32 v63, v5  }
0x1a5: {  	v0 =	vadd.f32 @p1 v0, v2;
	v63 =	vmul.f32 v44, v37;
	v35 =	vmul.f32 v35, v29  }
0x1a6: {  	v47 =	vadd.f32 @p2 v52, v54;
	v62 =	vmul.f32 v59, v38;
	v5 =	vmul.f32 v5, v29  }
0x1a7: {  	v3 =	vpsel p1, v3, v0;
	v33 =	vpsel p1, v33, v0;
	v35 =	vsub.f32 v35, v63  }
0x1a8: {  	[tilespmem:s17+$0xFFFFFFD0] =	vst @p2 v47;
	v3 =	vmul.f32 @p1 v6, v3;
	v42 =	vadd.s32 @p1 v22, v33;
	v5 =	vsub.f32 v5, v62  }
0x1a9: {  	v52 =	vadd.s32 v22, v32;
	v44 =	vld.idx.msk @p2 [tilespmem:v48+s8+$0x0], $0xffff;
	v1 =	vpsel p1, v1, v0;
	v49 =	vmul.f32 v6, v35  }
0x1aa: {  	v48 =	vadd.s32 v22, v50;
	[tilespmem:s2+$0x70] =	vst @p1 v0;
	v0 =	vadd.f32 @p1 v3, v1;
	v5 =	vmul.f32 v6, v5  }
0x1ab: {  	s0 =	smov.u32 @p1 s2;
	v35 =	vld.idx.msk @p1 [tilespmem:v51+s8+$0x0], $0xffff;
	v55 =	vadd.f32 v49, v63  }
0x1ac: {  	[tilespmem:s0+$0xFFFFFFD0] =	vst @p1 v0;
	v5 =	vadd.f32 v5, v62  }
0x1ad: {  	v1 =	vadd.s32 @p2 v23, v39;
	v0 =	vmul.f32 @p2 v53, v43;
	v2 =	vld.idx.msk @p1 [tilespmem:v42+s8+$0x0], $0xffff;
	[tilespmem:s3+$0xFFFFFFD0] =	vst v55  }
0x1ae: {  	v34 =	vpsel p1, v34, v55;
	[tilespmem:s3+$0x70] =	vst v5;
	v5 =	vadd.s32 @p2 v23, v36;
	v3 =	vld.idx.msk [tilespmem:v52+s8+$0x0], $0xffff  }
0x1af: {  	v33 =	vadd.s32 @p1 v23, v33;
	v34 =	vadd.s32 @p1 v23, v34;
	v56 =	vld.idx.msk [tilespmem:v48+s8+$0x0], $0xffff  }
0x1b0: {  	v39 =	vmul.f32 @p2 v44, v40;
	v41 =	vpsel p1, v46, v0;
	v35 =	vpsel p1, v35, v0  }
0x1b1: {  	v32 =	vadd.s32 v23, v32;
	[tilespmem:s17+$0x80] =	vst @p2 v0;
	v0 =	vpsel p1, v45, v0;
	v35 =	vmul.f32 @p1 v35, v41  }
0x1b2: {  	v57 =	vadd.s32 v23, v50;
	[tilespmem:s17+$0xFFFFFFE0] =	vst @p2 v39;
	v1 =	vld.idx.msk @p2 [tilespmem:v1+s8+$0x0], $0xffff;
	v2 =	vmul.f32 @p1 v2, v0  }
0x1b3: {  	[tilespmem:s0+$0x80] =	vst @p1 v35;
	v5 =	vld.idx.msk @p2 [tilespmem:v5+s8+$0x0], $0xffff;
	v60 =	vmul.f32 v3, v37  }
0x1b4: {  	v34 =	vld.idx.msk @p1 [tilespmem:v34+s8+$0x0], $0xffff;
	[tilespmem:s0+$0xFFFFFFE0] =	vst @p1 v2;
	v59 =	vmul.f32 v56, v38  }
0x1b5: {  	v3 =	vld.idx.msk @p1 [tilespmem:v33+s8+$0x0], $0xffff;
	[tilespmem:s3+$0xFFFFFFE0] =	vst v60  }
0x1b6: {  	[tilespmem:s3+$0x80] =	vst v59;
	v2 =	vld.idx.msk [tilespmem:v32+s8+$0x0], $0xffff  }
0x1b7: {  	v1 =	vmul.f32 @p2 v1, v43;
	v61 =	vld.idx.msk [tilespmem:v57+s8+$0x0], $0xffff  }
0x1b8: {  	v5 =	vmul.f32 @p2 v5, v40  }
0x1b9: {  	[tilespmem:s17+$0x90] =	vst @p2 v1;
	v1 =	vmul.f32 @p1 v34, v41  }
0x1ba: {  	v0 =	vmul.f32 @p1 v3, v0;
	[tilespmem:s17+$0xFFFFFFF0] =	vst @p2 v5  }
0x1bb: {  	[tilespmem:s0+$0x90] =	vst @p1 v1;
	v63 =	vmul.f32 v2, v37  }
0x1bc: {  	[tilespmem:s0+$0xFFFFFFF0] =	vst @p1 v0;
	v62 =	vmul.f32 v61, v38  }
0x1bd: {  	[tilespmem:s3+$0xFFFFFFF0] =	vst v63  }
0x1be: {  	v54 =	vmov v4;
	[tilespmem:s3+$0x90] =	vst v62  }
.LBB2_5:
0x1bf: {  	p1 =	sge.s32 s6, s13  }
.Ltmp9:
0x1c0: {  	_ = 	snop;
	(pc) =	sbr.rel @p1 .LBB2_8-.Ltmp9, $1  }
0x1c1: {  	_ =	sdelay $0x3  }
0x1c2: {  	s0 =	ssub.s32 s13, s6;
	s2 =	smul.u32 $0x280, s13  }
0x1c3: {  	s3 =	smul.u32 $0x280, s0  }
0x1c4: {  	s2 =	sadd.s32 s2, s7  }
0x1c5: {  	s2 =	ssub.s32 s2, s3  }
0x1c6: {  	s3 =	sshra.s32 s2, $0x2  }
0x1c7: {  	s2 =	ssub.s32 $0x0, s0;
	s3 =	sadd.s32 $0x98F0, s3  }
.LBB2_7:
0x1c8: {  	s0 =	sadd.s32 s2, s13  }
0x1c9: {  	v0 =	vadd.s32 s0, v8  }
0x1ca: {  	v0 =	vmul.u32 $0xA0, v0;
	_ =	sdelay $0x1  }
0x1cb: {  	v1 =	vadd.s32 v12, v0;
	_ =	sdelay $0x2  }
0x1cc: {  	v2 =	vmov s0  }
0x1cd: {  	v2 =	vcvt.s32.f32 v2  }
0x1ce: {  	v1 =	vld.idx.msk [tilespmem:v1+s8+$0x0], $0xffff  }
0x1cf: {  	v3 =	vsub.f32 v27, v2;
	_ =	sdelay $0x1  }
0x1d0: {  	v5 =	vadd.s32 v11, v0;
	v3 =	vmax.f32 v3, $0.0e+00  }
0x1d1: {  	v3 =	vmin.f32 v3, $1.000000000e+00  }
0x1d2: {  	v1 =	vmul.f32 v1, v3;
	_ =	sdelay $0x1  }
0x1d3: {  	[tilespmem:s3+$0xFFFFFFB0] =	vst v1  }
0x1d4: {  	v1 =	vld.idx.msk [tilespmem:v5+s8+$0x0], $0xffff;
	_ =	sdelay $0x1  }
0x1d5: {  	v5 =	vadd.s32 s0, v7  }
0x1d6: {  	v0 =	vadd.s32 v13, v0;
	v5 =	vmul.u32 $0xA0, v5;
	_ =	sdelay $0x1  }
0x1d7: {  	v32 =	vadd.s32 v14, v5;
	v1 =	vmul.f32 v1, v3;
	_ =	sdelay $0x1  }
0x1d8: {  	[tilespmem:s3+$0xFFFFFFC0] =	vst v1  }
0x1d9: {  	v0 =	vld.idx.msk [tilespmem:v0+s8+$0x0], $0xffff;
	_ =	sdelay $0x1  }
0x1da: {  	v1 =	vld.idx.msk [tilespmem:v32+s8+$0x0], $0xffff  }
0x1db: {  	v49 =	vsub.f32 v28, v2;
	_ =	sdelay $0x1  }
0x1dc: {  	v32 =	vmax.f32 v49, $0.0e+00;
	v0 =	vmul.f32 v0, v3  }
0x1dd: {  	v50 =	vmin.f32 v32, $1.000000000e+00  }
0x1de: {  	v1 =	vmul.f32 v1, v50;
	v0 =	vmul.f32 v0, v24;
	_ =	sdelay $0x1  }
0x1df: {  	v0 =	vsub.f32 v0, v1;
	_ =	sdelay $0x1  }
0x1e0: {  	v51 =	vadd.s32 v15, v5;
	v0 =	vmul.f32 v54, v0;
	_ =	sdelay $0x1  }
0x1e1: {  	v0 =	vadd.f32 v0, v1;
	_ =	sdelay $0x1  }
0x1e2: {  	[tilespmem:s3+$0xFFFFFFD0] =	vst v0  }
0x1e3: {  	v0 =	vld.idx.msk [tilespmem:v51+s8+$0x0], $0xffff;
	_ =	sdelay $0x2  }
0x1e4: {  	v52 =	vadd.s32 v16, v5;
	_ =	sdelay $0x1  }
0x1e5: {  	v0 =	vmul.f32 v0, v50;
	_ =	sdelay $0x1  }
0x1e6: {  	[tilespmem:s3+$0xFFFFFFE0] =	vst v0  }
0x1e7: {  	v0 =	vld.idx.msk [tilespmem:v52+s8+$0x0], $0xffff;
	_ =	sdelay $0x3  }
0x1e8: {  	v53 =	vadd.s32 s0, v9  }
0x1e9: {  	v5 =	vadd.s32 v17, v5;
	v1 =	vmul.u32 $0xA0, v53;
	v0 =	vmul.f32 v0, v50;
	_ =	sdelay $0x1  }
0x1ea: {  	v55 =	vadd.s32 v18, v1;
	v0 =	vmul.f32 v0, v25;
	_ =	sdelay $0x1  }
0x1eb: {  	[tilespmem:s3+$0xFFFFFFF0] =	vst v0  }
0x1ec: {  	v0 =	vld.idx.msk [tilespmem:v5+s8+$0x0], $0xffff;
	_ =	sdelay $0x1  }
0x1ed: {  	v5 =	vld.idx.msk [tilespmem:v55+s8+$0x0], $0xffff  }
0x1ee: {  	v56 =	vsub.f32 v30, v2;
	_ =	sdelay $0x1  }
0x1ef: {  	v32 =	vmax.f32 v56, $0.0e+00;
	v0 =	vmul.f32 v0, v50  }
0x1f0: {  	v57 =	vmin.f32 v32, $1.000000000e+00  }
0x1f1: {  	v5 =	vmul.f32 v5, v57;
	v0 =	vmul.f32 v0, v26;
	_ =	sdelay $0x1  }
0x1f2: {  	v0 =	vsub.f32 v0, v5;
	_ =	sdelay $0x1  }
0x1f3: {  	v59 =	vadd.s32 v19, v1;
	v0 =	vmul.f32 v58, v0;
	_ =	sdelay $0x1  }
0x1f4: {  	v0 =	vadd.f32 v0, v5;
	_ =	sdelay $0x1  }
0x1f5: {  	[tilespmem:s3+$0x0] =	vst v0  }
0x1f6: {  	v0 =	vld.idx.msk [tilespmem:v59+s8+$0x0], $0xffff;
	_ =	sdelay $0x1  }
0x1f7: {  	v5 =	vadd.s32 s0, v10  }
0x1f8: {  	v1 =	vadd.s32 v20, v1;
	v5 =	vmul.u32 $0xA0, v5;
	_ =	sdelay $0x1  }
0x1f9: {  	v60 =	vadd.s32 v21, v5;
	v0 =	vmul.f32 v0, v57;
	_ =	sdelay $0x1  }
0x1fa: {  	[tilespmem:s3+$0x10] =	vst v0  }
0x1fb: {  	v0 =	vld.idx.msk [tilespmem:v1+s8+$0x0], $0xffff;
	_ =	sdelay $0x1  }
0x1fc: {  	v61 =	vld.idx.msk [tilespmem:v60+s8+$0x0], $0xffff  }
0x1fd: {  	v2 =	vsub.f32 v31, v2;
	_ =	sdelay $0x1  }
0x1fe: {  	v2 =	vmax.f32 v2, $0.0e+00;
	v0 =	vmul.f32 v0, v57  }
0x1ff: {  	v2 =	vmin.f32 v2, $1.000000000e+00  }
0x200: {  	v1 =	vmul.f32 v61, v2;
	v0 =	vmul.f32 v0, v29;
	_ =	sdelay $0x1  }
0x201: {  	v0 =	vsub.f32 v0, v1;
	_ =	sdelay $0x1  }
0x202: {  	v62 =	vadd.s32 v22, v5;
	v0 =	vmul.f32 v6, v0;
	_ =	sdelay $0x1  }
0x203: {  	v0 =	vadd.f32 v0, v1;
	_ =	sdelay $0x1  }
0x204: {  	[tilespmem:s3+$0x20] =	vst v0  }
0x205: {  	v0 =	vld.idx.msk [tilespmem:v62+s8+$0x0], $0xffff;
	_ =	sdelay $0x2  }
0x206: {  	v63 =	vadd.s32 v23, v5;
	_ =	sdelay $0x1  }
0x207: {  	v0 =	vmul.f32 v0, v2;
	_ =	sdelay $0x1  }
0x208: {  	[tilespmem:s3+$0x30] =	vst v0  }
0x209: {  	v0 =	vld.idx.msk [tilespmem:v63+s8+$0x0], $0xffff  }
0x20a: {  	s2 =	sadd.s32 $0x1, s2  }
0x20b: {  	p1 =	seq.s32 s2, $0x0  }
.Ltmp10:
0x20c: {  	_ = 	snop;
	(pc) =	sbr.rel @!p1 .LBB2_7-.Ltmp10, $3  }
0x20d: {  	_ = 	snop  }
0x20e: {  	v0 =	vmul.f32 v0, v2;
	_ =	sdelay $0x1  }
0x20f: {  	[tilespmem:s3+$0x40] =	vst v0;
	s3 =	sadd.s32 $0xA0, s3  }
.Ltmp11:
0x210: {  	_ = 	snop;
	(pc) =	sbr.rel .LBB2_8-.Ltmp11, $1  }
0x211: {  	_ =	sdelay $0x3  }
.LBB2_4:
.Ltmp12:
0x212: {  	(pc) =	sbr.rel .LBB2_17-.Ltmp12, $2  }
0x213: {  	_ =	sdelay $0x2  }
0x214: {  	v37 =	vmov v45;
	s3 =	smov.u32 s2;
	v38 =	vmov v46  }
.LBB2_12:
.Ltmp13:
0x215: {  	(pc) =	sbr.rel .LBB2_17-.Ltmp13, $3  }
0x216: {  	_ =	sdelay $0x1  }
0x217: {  	s3 =	smov.u32 s4  }
0x218: {  	v37 =	vmov v42;
	v38 =	vmov v41;
	s12 =	simm.s32 $0x1;
	s16 =	simm.s32 $0x3;
	s14 =	simm.s32 $0x2  }
.LBB2_14:
0x219: {  	v45 =	vmov v42;
	v55 =	vmov v52  }
.Ltmp14:
0x21a: {  	v46 =	vmovc v41;
	v6 =	vmovc v7;
	v7 =	vmov v9;
	v9 =	vmov v10;
	v10 =	vmov v11;
	(pc) =	sbr.rel .LBB2_17-.Ltmp14, $4  }
0x21b: {  	v11 =	vmovc v12;
	v12 =	vmovc v13;
	v13 =	vmov v14;
	v14 =	vmov v15;
	v15 =	vmov v16  }
0x21c: {  	v16 =	vmovc v17;
	v17 =	vmovc v18;
	v18 =	vmov v19;
	v19 =	vmov v20;
	v20 =	vmov v21  }
0x21d: {  	s17 =	smov.u32 s2;
	v21 =	vmovc v22;
	v22 =	vmovc v23;
	v23 =	vmov v24;
	v24 =	vmov v25;
	v25 =	vmov v26  }
0x21e: {  	s2 =	smov.u32 s4;
	s16 =	simm.s32 $0x5;
	s14 =	simm.s32 $0x4;
	v26 =	vmovc v27;
	v27 =	vmovc v28;
	v28 =	vmov v29;
	v29 =	vmov v30;
	v30 =	vmov v31;
	v31 =	vld [tilespmem:$0x1FFA0]  }
.LBB2_10:
0x21f: {  	_ =	sfence.sel $0x180000  }
0x220: {  	[bflag:$0x0] =	sbarrier.arrive $0xFFFF  }
0x221: {  	_ =	strace $0x90000047  }
0x222: {  	s0 =	stileid.u32;
	[bflag:$0x2] =	sbarrier.arrive $0xFFFF  }
0x223: {  	p0 =	sne.s32 s0, $0x0;
	s0 =	rddreg [dreg:$0x2]  }
0x224: {  	s0 =	sadd.s32 @!p0 $0x100000, s0  }
0x225: {  	[sflag:s0] =	ssyncadd.tile.s32 @!p0 $0x1;
	_ =	shalt  }
.Lfunc_end2:
_tile_overlayer_lowered:
.L_overlay_start_2:
0x226: {  	(tag) =	ssettag $0x2  }
0x227: {  	s0 =	rddreg [dreg:$0x0];
	s2 =	stileid.u32  }
0x228: {  	s1 =	rddreg [dreg:$0x1];
	p0 =	sne.s32 s2, $0x0  }
0x229: {  	s3 =	rddreg [dreg:$0x2];
	[bflag:$0x3] =	sbarrier.arrive $0xFFFF;
	s2 =	simm.s32 @!p0 $0x1C05  }
0x22a: {  	[timem:s3], [sflag:s2] =	dma.local @!p0 [hbm:s0], s1  }
0x22b: {  	s0 =	simm.s32 @!p0 $0x5  }
0x22c: {  	_ =	swait.ge @!p0 [sflag:s0], s1  }
0x22d: {  	s1 =	ssub.s32 @!p0 $0x0, s1;
	[sflag:s0] =	ssyncset.done @!p0 $0x0  }
0x22e: {  	[sflag:s0] =	ssyncadd.s32 @!p0 s1  }
0x22f: {  	[bflag:$0x3] =	sbarrier.arrive $0xFFFF  }
0x230: {  	_ =	shalt  }

</sc_bundles>
